<compile_context>
chip_gen: v7x
topology: tpu7x:2x2x1
jax: 0.10.2.dev20260603
libtpu: 0.0.44.dev20260713+nightly
codegen_flags: <defaults>
</compile_context>

<pallas_src>
import jax
import jax.numpy as jnp
from jax.experimental import pallas as pl
from jax.experimental.pallas import tpu as pltpu
from jax.experimental.pallas import tpu_sc as plsc

BATCH = 256
CW_DIM = 2048
D = 256
K = 8192
C = CW_DIM // D

GATHER_WINDOW = 128
OHCHUNK = 2048
LANES = 128
NSLAB = K // LANES
INT_BIG = 2**31 - 1


def _argmin_kernel(x_ref, e_ref, idxg_ref, idxl_ref):
    c = pl.program_id(0)
    x = x_ref[...]
    e = e_ref[0]
    xe2 = jax.lax.dot_general(
        -2.0 * x, e, (((1,), (1,)), ((), ())),
        preferred_element_type=jnp.float32,
        precision=jax.lax.Precision.DEFAULT,
    )
    e2row = jax.lax.dot_general(
        jnp.ones((1, D), jnp.float32), e * e, (((1,), (1,)), ((), ())),
        preferred_element_type=jnp.float32,
        precision=jax.lax.Precision.HIGHEST,
    )
    x2col = jax.lax.dot_general(
        x * x, jnp.ones((1, D), jnp.float32), (((1,), (1,)), ((), ())),
        preferred_element_type=jnp.float32,
        precision=jax.lax.Precision.HIGHEST,
    )
    scores = (x2col + xe2) + e2row

    rm = jnp.full((BATCH, LANES), jnp.inf, jnp.float32)
    rk = jnp.zeros((BATCH, LANES), jnp.int32)
    lane_iota = jax.lax.broadcasted_iota(jnp.int32, (BATCH, LANES), 1)
    for s in range(NSLAB):
        slab = scores[:, s * LANES:(s + 1) * LANES]
        kvec = lane_iota + s * LANES
        cond = slab < rm
        rm = jnp.where(cond, slab, rm)
        rk = jnp.where(cond, kvec, rk)

    lm = jnp.min(rm, axis=1, keepdims=True)
    cand = jnp.where(rm == lm, rk, INT_BIG)
    idx = jnp.min(cand, axis=1, keepdims=True)
    idxg_ref[0] = idx + c * K
    idxl_ref[0] = idx


def _onehot_kernel(idx2_ref, oh_ref):
    kb = pl.program_id(0)
    idx2 = idx2_ref[...]
    k_iota = (jax.lax.broadcasted_iota(jnp.int32, (BATCH * C, OHCHUNK), 1)
              + kb * OHCHUNK)
    oh_ref[...] = (k_iota == idx2).astype(jnp.float32)


def _sc_gather(table_flat, idx_flat):
    n_idx = BATCH * C
    half = BATCH // GATHER_WINDOW
    mesh = plsc.VectorSubcoreMesh(core_axis_name="core", subcore_axis_name="subcore")

    @pl.kernel(out_type=jax.ShapeDtypeStruct((BATCH, C * D), jnp.float32), mesh=mesh)
    def gather_kernel(tab_hbm, i_hbm, o_hbm):
        def body(i_vmem, o_vmem):
            pltpu.sync_copy(tab_hbm.at[i_vmem.at[0]], o_vmem)

        pltpu.emit_pipeline(
            body,
            grid=(n_idx // GATHER_WINDOW,),
            in_specs=[pl.BlockSpec((1, GATHER_WINDOW), index_map=lambda i: (0, i))],
            out_specs=[pl.BlockSpec((GATHER_WINDOW, D),
                                    index_map=lambda i: (i % half, i // half))],
            core_axis_name=("core", "subcore"),
            dimension_semantics=(pltpu.PARALLEL,),
        )(i_hbm, o_hbm)

    return gather_kernel(table_flat, idx_flat)


def kernel(cw_q, codebook):
    idx_g, idx_l = pl.pallas_call(
        _argmin_kernel,
        grid=(C,),
        in_specs=[
            pl.BlockSpec((BATCH, D), lambda c: (0, c)),
            pl.BlockSpec((1, K, D), lambda c: (c, 0, 0)),
        ],
        out_specs=[
            pl.BlockSpec((1, BATCH, 1), lambda c: (c, 0, 0)),
            pl.BlockSpec((1, BATCH, 1), lambda c: (c, 0, 0)),
        ],
        out_shape=[
            jax.ShapeDtypeStruct((C, BATCH, 1), jnp.int32),
            jax.ShapeDtypeStruct((C, BATCH, 1), jnp.int32),
        ],
        compiler_params=pltpu.CompilerParams(
            dimension_semantics=("parallel",)),
    )(cw_q, codebook)

    idx2 = idx_l[:, :, 0].T.reshape(BATCH * C, 1)
    one_hot_flat = pl.pallas_call(
        _onehot_kernel,
        grid=(K // OHCHUNK,),
        in_specs=[pl.BlockSpec((BATCH * C, 1), lambda kb: (0, 0))],
        out_specs=pl.BlockSpec((BATCH * C, OHCHUNK), lambda kb: (0, kb)),
        out_shape=jax.ShapeDtypeStruct((BATCH * C, K), jnp.float32),
        compiler_params=pltpu.CompilerParams(
            dimension_semantics=("parallel",)),
    )(idx2)

    one_hot = one_hot_flat.reshape(BATCH, C, K)
    idx_flat = idx_g.reshape(1, BATCH * C)
    cw_e = _sc_gather(codebook.reshape(C * K, D), idx_flat)
    cw = cw_q + jax.lax.stop_gradient(cw_e - cw_q)
    return cw, one_hot

# --- scband reference (transcript-rebuilt; emitter-appended) ---
"""Pipeline reference for scband-vqvae-65034394796676 (READ-ONLY COPY).

The authoritative reference and input builder live on the scoring server;
editing this copy changes nothing except your own understanding.
"""

import jax, jax.numpy as jnp
import numpy as np

BATCH = 256
CW_DIM = 2048
DIM_EMBEDDING = 256
BOOK_SIZE = 8192
DIM_CODES = CW_DIM // DIM_EMBEDDING  # 8


def setup_inputs(seed: int = 0) -> dict:
    key = jax.random.key(seed)
    k1, k2 = jax.random.split(key)
    cw_q = jax.random.normal(k1, (BATCH, CW_DIM), dtype=jnp.float32)
    codebook = jax.random.normal(k2, (DIM_CODES, BOOK_SIZE, DIM_EMBEDDING), dtype=jnp.float32)
    return {"cw_q": cw_q, "codebook": codebook}


def _square_distance(x, book):
    # x: [B, C, D], book: [C, K, D] -> dist [B, C, K]
    # ||x - e||^2 = ||x||^2 - 2 x.e + ||e||^2 (standard square_distance formulation)
    x2 = jnp.sum(x * x, axis=-1, keepdims=True)          # [B, C, 1]
    e2 = jnp.sum(book * book, axis=-1)[None, :, :]       # [1, C, K]
    xe = jnp.einsum('bcd,ckd->bck', x, book)             # [B, C, K]
    return x2 - 2.0 * xe + e2


def quantise(cw_q, codebook):
    batch = cw_q.shape[0]
    # view(batch*dim_codes, 1, dim_embedding) against repeated codebook, done blockwise
    x = cw_q.reshape(batch, DIM_CODES, DIM_EMBEDDING)
    dist = _square_distance(x, codebook)                 # [B, C, K]
    idx = jnp.argmin(dist, axis=2)                       # [B, C]
    # book.gather(1, idx.expand(-1,-1,D)) == codebook[c, idx[b,c], :]
    closest = codebook[jnp.arange(DIM_CODES)[None, :], idx]  # [B, C, D]
    cw_embed = closest.reshape(batch, DIM_CODES * DIM_EMBEDDING)
    # one_hot scatter_(2, idx, 1)
    one_hot_idx = jax.nn.one_hot(idx, BOOK_SIZE, dtype=jnp.float32)  # [B, C, K]
    return cw_embed, one_hot_idx


def reference(cw_q, codebook):
    cw_e, cw_idx = quantise(cw_q, codebook)
    # TransferGrad straight-through estimator: forward = cw_e, grad flows to cw_q
    cw = cw_q + jax.lax.stop_gradient(cw_e - cw_q)
    return cw, cw_idx

if __name__ == "__main__":
    import jax
    _d = setup_inputs()
    print(jax.jit(kernel)(*tuple(_d.values())))

</pallas_src>

<mosaic_0001>
#map = affine_map<(d0, d1) -> (0, 0)>
module attributes {stable_mosaic.version = 14 : i64} {
  func.func @gather_kernel(%arg0: i32, %arg1: i32, %arg2: memref<65536x256xf32, #tpu.memory_space<hbm>>, %arg3: memref<1x2048xi32, #tpu.memory_space<hbm>>, %arg4: memref<256x2048xf32, #tpu.memory_space<hbm>>) attributes {dimension_semantics = [#tpu.dimension_semantics<core_parallel>, #tpu.dimension_semantics<subcore_parallel>], iteration_bounds = array<i64: 2, 16>, scalar_prefetch = 0 : i64, scratch_operands = 0 : i64, tpu.core_type = #tpu.core_type<sc_vector_subcore>, window_params = [{transform_indices = #map}, {transform_indices = #map}, {transform_indices = #map}]} {
    %mul3A = arith.constant 1 : i32
    %mul3A_0 = arith.muli %arg1, %mul3A : i32
    %add3A = arith.constant 0 : i32
    %add3A_1 = arith.addi %add3A, %mul3A_0 : i32
    %mul3A_2 = arith.constant 16 : i32
    %mul3A_3 = arith.muli %arg0, %mul3A_2 : i32
    %add3A_4 = arith.addi %add3A_1, %mul3A_3 : i32
    %lt3A = arith.constant 16 : i32
    %lt3A_5 = arith.cmpi slt, %add3A_4, %lt3A : i32
    %jit3A = arith.constant 1 : i32
    %jit3A_6 = arith.constant 0 : i32
    %select_n3A = arith.select %lt3A_5, %jit3A, %jit3A_6 : i32
    %lt3A_7 = arith.constant 16 : i32
    %lt3A_8 = arith.cmpi slt, %add3A_4, %lt3A_7 : i32
    %mul3A_9 = arith.muli %add3A_4, %select_n3A : i32
    %mul3A_10 = arith.constant 0 : i32
    %mul3A_11 = arith.muli %add3A_4, %mul3A_10 : i32
    %add3A_12 = arith.constant 16 : i32
    %add3A_13 = arith.addi %mul3A_11, %add3A_12 : i32
    %select_n3A_14 = arith.select %lt3A_8, %mul3A_9, %add3A_13 : i32
    %mul3A_15 = arith.constant 1 : i32
    %mul3A_16 = arith.muli %mul3A_15, %select_n3A : i32
    "tpu.region"() ({
      %run_scoped3A = memref.alloca() : memref<2x1x128xi32, #tpu.memory_space<vmem>>
      %run_scoped3A_17 = tpu.sem_alloc : memref<2x!tpu.dma_semaphore, #tpu.memory_space<semaphore_mem>>
      %run_scoped3A_18 = memref.alloca() : memref<2x128x256xf32, #tpu.memory_space<vmem>>
      %run_scoped3A_19 = tpu.sem_alloc : memref<2x!tpu.dma_semaphore, #tpu.memory_space<semaphore_mem>>
      %gt3A = arith.constant 0 : i32
      %gt3A_20 = arith.cmpi sgt, %mul3A_16, %gt3A : i32
      %convert_element_type3A = arith.extui %gt3A_20 : i1 to i32
      %cond3A = arith.constant 0 : i32
      %cond3A_21 = arith.cmpi ne, %convert_element_type3A, %cond3A : i32
      scf.if %cond3A_21 {
        %mul3A_22 = arith.constant 1 : i32
        %mul3A_23 = arith.muli %mul3A_22, %select_n3A : i32
        %sub3A = arith.constant 1 : i32
        %sub3A_24 = arith.subi %mul3A_23, %sub3A : i32
        %eq3A = arith.constant 0 : i32
        %eq3A_25 = arith.cmpi eq, %sub3A_24, %eq3A : i32
        %add3A_26 = arith.constant 0 : i32
        %add3A_27 = arith.addi %add3A_26, %select_n3A_14 : i32
        %select_n3A_28 = arith.constant true
        %select_n3A_29 = arith.constant 0 : i32
        %select_n3A_30 = arith.constant -1 : i32
        %select_n3A_31 = arith.select %select_n3A_28, %select_n3A_30, %select_n3A_29 : i32
        %eq3A_32 = arith.constant -1 : i32
        %eq3A_33 = arith.cmpi eq, %select_n3A_31, %eq3A_32 : i32
        %sub3A_34 = arith.constant 1 : i32
        %sub3A_35 = arith.subi %select_n3A, %sub3A_34 : i32
        %select_n3A_36 = arith.select %eq3A_33, %sub3A_35, %select_n3A_31 : i32
        %add3A_37 = arith.addi %select_n3A_36, %select_n3A_14 : i32
        %select_n3A_38 = arith.constant true
        %select_n3A_39 = arith.constant 0 : i32
        %select_n3A_40 = arith.constant 1 : i32
        %select_n3A_41 = arith.select %select_n3A_38, %select_n3A_40, %select_n3A_39 : i32
        %eq3A_42 = arith.cmpi eq, %select_n3A_41, %select_n3A : i32
        %select_n3A_43 = arith.constant 0 : i32
        %select_n3A_44 = arith.select %eq3A_42, %select_n3A_43, %select_n3A_41 : i32
        %add3A_45 = arith.addi %select_n3A_44, %select_n3A_14 : i32
        %add3A_46 = arith.constant 1 : i32
        %add3A_47 = arith.addi %select_n3A_44, %add3A_46 : i32
        %select_n3A_48 = arith.constant true
        %select_n3A_49 = arith.select %select_n3A_48, %add3A_47, %select_n3A_44 : i32
        %eq3A_50 = arith.cmpi eq, %select_n3A_49, %select_n3A : i32
        %select_n3A_51 = arith.constant 0 : i32
        %select_n3A_52 = arith.select %eq3A_50, %select_n3A_51, %select_n3A_49 : i32
        %add3A_53 = arith.addi %select_n3A_52, %select_n3A_14 : i32
        "tpu.trace_start"() <{level = 10 : i32, message = "ep_initialize_0"}> : () -> ()
        %rem3A = arith.constant 0 : i32
        %rem3A_54 = arith.constant 2 : i32
        %rem3A_55 = arith.remui %rem3A, %rem3A_54 : i32
        %mul3A_56 = arith.constant 128 : i32
        %mul3A_57 = arith.muli %mul3A_56, %add3A_27 : i32
        %dma_start3A = arith.constant 0 : i32
        %dma_start3A_58 = arith.constant 0 : i32
        %dma_start3A_59 = tpu.memref_slice %run_scoped3A[%rem3A_55, %dma_start3A, %dma_start3A_58] : memref<2x1x128xi32, #tpu.memory_space<vmem>> -> memref<1x1x128xi32, #tpu.memory_space<vmem>>
        %dma_start3A_60 = tpu.memref_squeeze %dma_start3A_59 : memref<1x1x128xi32, #tpu.memory_space<vmem>> -> memref<1x128xi32, #tpu.memory_space<vmem>>
        %dma_start3A_61 = arith.constant 0 : i32
        %dma_start3A_62 = tpu.memref_slice %arg3[%dma_start3A_61, %mul3A_57] : memref<1x2048xi32, #tpu.memory_space<hbm>> -> memref<1x128xi32, #tpu.memory_space<hbm>>
        %dma_start3A_63 = tpu.memref_slice %run_scoped3A_17[%rem3A_55] : memref<2x!tpu.dma_semaphore, #tpu.memory_space<semaphore_mem>> -> memref<1x!tpu.dma_semaphore, #tpu.memory_space<semaphore_mem>>
        %dma_start3A_64 = tpu.memref_squeeze %dma_start3A_63 : memref<1x!tpu.dma_semaphore, #tpu.memory_space<semaphore_mem>> -> memref<!tpu.dma_semaphore, #tpu.memory_space<semaphore_mem>>
        %dma_start3A_65 = arith.constant 0 : i32
        %dma_start3A_66 = arith.constant 0 : i32
        %dma_start3A_67 = tpu.memref_slice %run_scoped3A[%rem3A_55, %dma_start3A_65, %dma_start3A_66] : memref<2x1x128xi32, #tpu.memory_space<vmem>> -> memref<1x1x128xi32, #tpu.memory_space<vmem>>
        %dma_start3A_68 = tpu.memref_squeeze %dma_start3A_67 : memref<1x1x128xi32, #tpu.memory_space<vmem>> -> memref<1x128xi32, #tpu.memory_space<vmem>>
        %dma_start3A_69 = arith.constant 0 : i32
        %dma_start3A_70 = tpu.memref_slice %arg3[%dma_start3A_69, %mul3A_57] : memref<1x2048xi32, #tpu.memory_space<hbm>> -> memref<1x128xi32, #tpu.memory_space<hbm>>
        tpu.enqueue_dma source(%dma_start3A_70 : memref<1x128xi32, #tpu.memory_space<hbm>>) target(%dma_start3A_68 : memref<1x128xi32, #tpu.memory_space<vmem>>) target_semaphore(%dma_start3A_64 : memref<!tpu.dma_semaphore, #tpu.memory_space<semaphore_mem>>)
        %add3A_71 = arith.constant 0 : i32
        %add3A_72 = arith.constant 1 : i32
        %add3A_73 = arith.addi %add3A_71, %add3A_72 : i32
        %select_n3A_74 = arith.constant true
        %select_n3A_75 = arith.constant 0 : i32
        %select_n3A_76 = arith.select %select_n3A_74, %add3A_73, %select_n3A_75 : i32
        %while3A = arith.constant 0 : i32
        %while3A_77 = arith.constant 0 : i32
        %while3A_78 = arith.constant 0 : i32
        %while3A_79 = arith.constant 0 : i32
        %while3A_80 = arith.constant 0 : i32
        "tpu.trace_stop"() : () -> ()
        %while3A_81 = arith.subi %mul3A_16, %while3A : i32
        %while3A_82 = arith.addi %while3A, %while3A_81 : i32
        %while3A_83 = arith.constant 1 : i32
        %while3A_84 = arith.divsi %while3A_81, %while3A_83 : i32
        %while3A_85 = arith.muli %while3A_84, %while3A_83 : i32
        %while3A_86 = arith.addi %while3A, %while3A_85 : i32
        %while3A_87 = arith.constant 1 : i32
        %while3A_88:5 = scf.for %while3A_142 = %while3A to %while3A_86 step %while3A_87 iter_args(%while3A_143 = %select_n3A_76, %while3A_144 = %while3A_77, %while3A_145 = %while3A_78, %while3A_146 = %while3A_79, %while3A_147 = %while3A_80) -> (i32, i32, i32, i32, i32)  : i32 {
          %mul3A_148 = arith.constant 1 : i32
          %mul3A_149 = arith.muli %mul3A_148, %select_n3A : i32
          %eq3A_150 = arith.constant 0 : i32
          %eq3A_151 = arith.cmpi eq, %while3A_142, %eq3A_150 : i32
          %sub3A_152 = arith.constant 1 : i32
          %sub3A_153 = arith.subi %mul3A_149, %sub3A_152 : i32
          %eq3A_154 = arith.cmpi eq, %while3A_142, %sub3A_153 : i32
          %add3A_155 = arith.addi %while3A_147, %select_n3A_14 : i32
          %sub3A_156 = arith.constant 1 : i32
          %sub3A_157 = arith.subi %while3A_147, %sub3A_156 : i32
          %select_n3A_158 = arith.constant true
          %select_n3A_159 = arith.select %select_n3A_158, %sub3A_157, %while3A_147 : i32
          %eq3A_160 = arith.constant -1 : i32
          %eq3A_161 = arith.cmpi eq, %select_n3A_159, %eq3A_160 : i32
          %sub3A_162 = arith.constant 1 : i32
          %sub3A_163 = arith.subi %select_n3A, %sub3A_162 : i32
          %select_n3A_164 = arith.select %eq3A_161, %sub3A_163, %select_n3A_159 : i32
          %add3A_165 = arith.addi %select_n3A_164, %select_n3A_14 : i32
          %add3A_166 = arith.constant 1 : i32
          %add3A_167 = arith.addi %while3A_147, %add3A_166 : i32
          %select_n3A_168 = arith.constant true
          %select_n3A_169 = arith.select %select_n3A_168, %add3A_167, %while3A_147 : i32
          %eq3A_170 = arith.cmpi eq, %select_n3A_169, %select_n3A : i32
          %select_n3A_171 = arith.constant 0 : i32
          %select_n3A_172 = arith.select %eq3A_170, %select_n3A_171, %select_n3A_169 : i32
          %add3A_173 = arith.addi %select_n3A_172, %select_n3A_14 : i32
          %add3A_174 = arith.constant 1 : i32
          %add3A_175 = arith.addi %select_n3A_172, %add3A_174 : i32
          %select_n3A_176 = arith.constant true
          %select_n3A_177 = arith.select %select_n3A_176, %add3A_175, %select_n3A_172 : i32
          %eq3A_178 = arith.cmpi eq, %select_n3A_177, %select_n3A : i32
          %select_n3A_179 = arith.constant 0 : i32
          %select_n3A_180 = arith.select %eq3A_178, %select_n3A_179, %select_n3A_177 : i32
          %add3A_181 = arith.addi %select_n3A_180, %select_n3A_14 : i32
          %ne3A = arith.cmpi ne, %add3A_155, %add3A_173 : i32
          %or3A = arith.constant false
          %or3A_182 = arith.ori %or3A, %ne3A : i1
          %sub3A_183 = arith.constant 2 : i32
          %sub3A_184 = arith.subi %mul3A_149, %sub3A_183 : i32
          %add3A_185 = arith.constant 1 : i32
          %add3A_186 = arith.addi %sub3A_184, %add3A_185 : i32
          %ge3A = arith.cmpi sge, %while3A_142, %add3A_186 : i32
          %not3A = arith.constant true
          %not3A_187 = arith.xori %ge3A, %not3A : i1
          %and3A = arith.andi %or3A_182, %not3A_187 : i1
          %convert_element_type3A_188 = arith.extui %and3A : i1 to i32
          %cond3A_189 = arith.constant 0 : i32
          %cond3A_190 = arith.cmpi ne, %convert_element_type3A_188, %cond3A_189 : i32
          scf.if %cond3A_190 {
            "tpu.trace_start"() <{level = 10 : i32, message = "ep_copy_in"}> : () -> ()
            %rem3A_612 = arith.constant 2 : i32
            %rem3A_613 = arith.remui %while3A_143, %rem3A_612 : i32
            %mul3A_614 = arith.constant 128 : i32
            %mul3A_615 = arith.muli %mul3A_614, %add3A_173 : i32
            %dma_start3A_616 = arith.constant 0 : i32
            %dma_start3A_617 = arith.constant 0 : i32
            %dma_start3A_618 = tpu.memref_slice %run_scoped3A[%rem3A_613, %dma_start3A_616, %dma_start3A_617] : memref<2x1x128xi32, #tpu.memory_space<vmem>> -> memref<1x1x128xi32, #tpu.memory_space<vmem>>
            %dma_start3A_619 = tpu.memref_squeeze %dma_start3A_618 : memref<1x1x128xi32, #tpu.memory_space<vmem>> -> memref<1x128xi32, #tpu.memory_space<vmem>>
            %dma_start3A_620 = arith.constant 0 : i32
            %dma_start3A_621 = tpu.memref_slice %arg3[%dma_start3A_620, %mul3A_615] : memref<1x2048xi32, #tpu.memory_space<hbm>> -> memref<1x128xi32, #tpu.memory_space<hbm>>
            %dma_start3A_622 = tpu.memref_slice %run_scoped3A_17[%rem3A_613] : memref<2x!tpu.dma_semaphore, #tpu.memory_space<semaphore_mem>> -> memref<1x!tpu.dma_semaphore, #tpu.memory_space<semaphore_mem>>
            %dma_start3A_623 = tpu.memref_squeeze %dma_start3A_622 : memref<1x!tpu.dma_semaphore, #tpu.memory_space<semaphore_mem>> -> memref<!tpu.dma_semaphore, #tpu.memory_space<semaphore_mem>>
            %dma_start3A_624 = arith.constant 0 : i32
            %dma_start3A_625 = arith.constant 0 : i32
            %dma_start3A_626 = tpu.memref_slice %run_scoped3A[%rem3A_613, %dma_start3A_624, %dma_start3A_625] : memref<2x1x128xi32, #tpu.memory_space<vmem>> -> memref<1x1x128xi32, #tpu.memory_space<vmem>>
            %dma_start3A_627 = tpu.memref_squeeze %dma_start3A_626 : memref<1x1x128xi32, #tpu.memory_space<vmem>> -> memref<1x128xi32, #tpu.memory_space<vmem>>
            %dma_start3A_628 = arith.constant 0 : i32
            %dma_start3A_629 = tpu.memref_slice %arg3[%dma_start3A_628, %mul3A_615] : memref<1x2048xi32, #tpu.memory_space<hbm>> -> memref<1x128xi32, #tpu.memory_space<hbm>>
            tpu.enqueue_dma source(%dma_start3A_629 : memref<1x128xi32, #tpu.memory_space<hbm>>) target(%dma_start3A_627 : memref<1x128xi32, #tpu.memory_space<vmem>>) target_semaphore(%dma_start3A_623 : memref<!tpu.dma_semaphore, #tpu.memory_space<semaphore_mem>>)
            "tpu.trace_stop"() : () -> ()
          } else {
          }
          %and3A_191 = arith.constant true
          %and3A_192 = arith.andi %and3A, %and3A_191 : i1
          %add3A_193 = arith.constant 1 : i32
          %add3A_194 = arith.addi %while3A_143, %add3A_193 : i32
          %select_n3A_195 = arith.select %and3A_192, %add3A_194, %while3A_143 : i32
          %jit3A_196 = arith.constant 2 : i32
          %eq3A_197 = arith.constant 0 : i32
          %eq3A_198 = arith.cmpi eq, %jit3A_196, %eq3A_197 : i32
          %jit3A_199 = arith.constant 1 : i32
          %select_n3A_200 = arith.select %eq3A_198, %jit3A_199, %jit3A_196 : i32
          %rem3A_201 = arith.remsi %add3A_155, %select_n3A_200 : i32
          %ne3A_202 = arith.constant 0 : i32
          %ne3A_203 = arith.cmpi ne, %rem3A_201, %ne3A_202 : i32
          %lt3A_204 = arith.constant 0 : i32
          %lt3A_205 = arith.cmpi slt, %rem3A_201, %lt3A_204 : i32
          %lt3A_206 = arith.constant 0 : i32
          %lt3A_207 = arith.cmpi slt, %select_n3A_200, %lt3A_206 : i32
          %ne3A_208 = arith.xori %lt3A_205, %lt3A_207 : i1
          %and3A_209 = arith.andi %ne3A_208, %ne3A_203 : i1
          %add3A_210 = arith.addi %rem3A_201, %select_n3A_200 : i32
          %select_n3A_211 = arith.select %and3A_209, %add3A_210, %rem3A_201 : i32
          %jit3A_212 = arith.constant 2 : i32
          %div3A = arith.divsi %add3A_155, %jit3A_212 : i32
          %sign3A = arith.constant 0 : i32
          %sign3A_213 = arith.cmpi sgt, %add3A_155, %sign3A : i32
          %sign3A_214 = arith.extui %sign3A_213 : i1 to i32
          %sign3A_215 = arith.constant 0 : i32
          %sign3A_216 = arith.cmpi slt, %add3A_155, %sign3A_215 : i32
          %sign3A_217 = arith.extui %sign3A_216 : i1 to i32
          %sign3A_218 = arith.subi %sign3A_214, %sign3A_217 : i32
          %sign3A_219 = arith.constant 0 : i32
          %sign3A_220 = arith.cmpi sgt, %jit3A_212, %sign3A_219 : i32
          %sign3A_221 = arith.extui %sign3A_220 : i1 to i32
          %sign3A_222 = arith.constant 0 : i32
          %sign3A_223 = arith.cmpi slt, %jit3A_212, %sign3A_222 : i32
          %sign3A_224 = arith.extui %sign3A_223 : i1 to i32
          %sign3A_225 = arith.subi %sign3A_221, %sign3A_224 : i32
          %ne3A_226 = arith.cmpi ne, %sign3A_218, %sign3A_225 : i32
          %rem3A_227 = arith.remsi %add3A_155, %jit3A_212 : i32
          %ne3A_228 = arith.constant 0 : i32
          %ne3A_229 = arith.cmpi ne, %rem3A_227, %ne3A_228 : i32
          %and3A_230 = arith.andi %ne3A_226, %ne3A_229 : i1
          %sub3A_231 = arith.constant 1 : i32
          %sub3A_232 = arith.subi %div3A, %sub3A_231 : i32
          %select_n3A_233 = arith.select %and3A_230, %sub3A_232, %div3A : i32
          %jit3A_234 = arith.constant 2 : i32
          %eq3A_235 = arith.constant 0 : i32
          %eq3A_236 = arith.cmpi eq, %jit3A_234, %eq3A_235 : i32
          %jit3A_237 = arith.constant 1 : i32
          %select_n3A_238 = arith.select %eq3A_236, %jit3A_237, %jit3A_234 : i32
          %rem3A_239 = arith.remsi %add3A_173, %select_n3A_238 : i32
          %ne3A_240 = arith.constant 0 : i32
          %ne3A_241 = arith.cmpi ne, %rem3A_239, %ne3A_240 : i32
          %lt3A_242 = arith.constant 0 : i32
          %lt3A_243 = arith.cmpi slt, %rem3A_239, %lt3A_242 : i32
          %lt3A_244 = arith.constant 0 : i32
          %lt3A_245 = arith.cmpi slt, %select_n3A_238, %lt3A_244 : i32
          %ne3A_246 = arith.xori %lt3A_243, %lt3A_245 : i1
          %and3A_247 = arith.andi %ne3A_246, %ne3A_241 : i1
          %add3A_248 = arith.addi %rem3A_239, %select_n3A_238 : i32
          %select_n3A_249 = arith.select %and3A_247, %add3A_248, %rem3A_239 : i32
          %jit3A_250 = arith.constant 2 : i32
          %div3A_251 = arith.divsi %add3A_173, %jit3A_250 : i32
          %sign3A_252 = arith.constant 0 : i32
          %sign3A_253 = arith.cmpi sgt, %add3A_173, %sign3A_252 : i32
          %sign3A_254 = arith.extui %sign3A_253 : i1 to i32
          %sign3A_255 = arith.constant 0 : i32
          %sign3A_256 = arith.cmpi slt, %add3A_173, %sign3A_255 : i32
          %sign3A_257 = arith.extui %sign3A_256 : i1 to i32
          %sign3A_258 = arith.subi %sign3A_254, %sign3A_257 : i32
          %sign3A_259 = arith.constant 0 : i32
          %sign3A_260 = arith.cmpi sgt, %jit3A_250, %sign3A_259 : i32
          %sign3A_261 = arith.extui %sign3A_260 : i1 to i32
          %sign3A_262 = arith.constant 0 : i32
          %sign3A_263 = arith.cmpi slt, %jit3A_250, %sign3A_262 : i32
          %sign3A_264 = arith.extui %sign3A_263 : i1 to i32
          %sign3A_265 = arith.subi %sign3A_261, %sign3A_264 : i32
          %ne3A_266 = arith.cmpi ne, %sign3A_258, %sign3A_265 : i32
          %rem3A_267 = arith.remsi %add3A_173, %jit3A_250 : i32
          %ne3A_268 = arith.constant 0 : i32
          %ne3A_269 = arith.cmpi ne, %rem3A_267, %ne3A_268 : i32
          %and3A_270 = arith.andi %ne3A_266, %ne3A_269 : i1
          %sub3A_271 = arith.constant 1 : i32
          %sub3A_272 = arith.subi %div3A_251, %sub3A_271 : i32
          %select_n3A_273 = arith.select %and3A_270, %sub3A_272, %div3A_251 : i32
          %ne3A_274 = arith.cmpi ne, %select_n3A_211, %select_n3A_249 : i32
          %ne3A_275 = arith.cmpi ne, %select_n3A_233, %select_n3A_273 : i32
          %or3A_276 = arith.constant false
          %or3A_277 = arith.ori %or3A_276, %ne3A_274 : i1
          %or3A_278 = arith.ori %or3A_277, %ne3A_275 : i1
          %sub3A_279 = arith.constant 2 : i32
          %sub3A_280 = arith.subi %mul3A_149, %sub3A_279 : i32
          %add3A_281 = arith.constant 1 : i32
          %add3A_282 = arith.addi %sub3A_280, %add3A_281 : i32
          %ge3A_283 = arith.cmpi sge, %while3A_142, %add3A_282 : i32
          %not3A_284 = arith.constant true
          %not3A_285 = arith.xori %ge3A_283, %not3A_284 : i1
          %and3A_286 = arith.andi %or3A_278, %not3A_285 : i1
          %ne3A_287 = arith.cmpi ne, %add3A_155, %add3A_165 : i32
          %or3A_288 = arith.constant false
          %or3A_289 = arith.ori %or3A_288, %ne3A_287 : i1
          %or3A_290 = arith.ori %or3A_289, %eq3A_151 : i1
          %convert_element_type3A_291 = arith.extui %or3A_290 : i1 to i32
          %cond3A_292 = arith.constant 0 : i32
          %cond3A_293 = arith.cmpi ne, %convert_element_type3A_291, %cond3A_292 : i32
          scf.if %cond3A_293 {
            "tpu.trace_start"() <{level = 10 : i32, message = "ep_wait_in"}> : () -> ()
            %mul3A_612 = arith.constant 128 : i32
            %mul3A_613 = arith.muli %mul3A_612, %add3A_155 : i32
            %rem3A_614 = arith.constant 2 : i32
            %rem3A_615 = arith.remui %while3A_144, %rem3A_614 : i32
            %dma_wait3A = arith.constant 0 : i32
            %dma_wait3A_616 = arith.constant 0 : i32
            %dma_wait3A_617 = tpu.memref_slice %run_scoped3A[%rem3A_615, %dma_wait3A, %dma_wait3A_616] : memref<2x1x128xi32, #tpu.memory_space<vmem>> -> memref<1x1x128xi32, #tpu.memory_space<vmem>>
            %dma_wait3A_618 = tpu.memref_squeeze %dma_wait3A_617 : memref<1x1x128xi32, #tpu.memory_space<vmem>> -> memref<1x128xi32, #tpu.memory_space<vmem>>
            %dma_wait3A_619 = arith.constant 0 : i32
            %dma_wait3A_620 = tpu.memref_slice %arg3[%dma_wait3A_619, %mul3A_613] : memref<1x2048xi32, #tpu.memory_space<hbm>> -> memref<1x128xi32, #tpu.memory_space<hbm>>
            %dma_wait3A_621 = tpu.memref_slice %run_scoped3A_17[%rem3A_615] : memref<2x!tpu.dma_semaphore, #tpu.memory_space<semaphore_mem>> -> memref<1x!tpu.dma_semaphore, #tpu.memory_space<semaphore_mem>>
            %dma_wait3A_622 = tpu.memref_squeeze %dma_wait3A_621 : memref<1x!tpu.dma_semaphore, #tpu.memory_space<semaphore_mem>> -> memref<!tpu.dma_semaphore, #tpu.memory_space<semaphore_mem>>
            %dma_wait3A_623 = arith.constant 0 : i32
            %dma_wait3A_624 = arith.constant 0 : i32
            %dma_wait3A_625 = tpu.memref_slice %run_scoped3A[%rem3A_615, %dma_wait3A_623, %dma_wait3A_624] : memref<2x1x128xi32, #tpu.memory_space<vmem>> -> memref<1x1x128xi32, #tpu.memory_space<vmem>>
            %dma_wait3A_626 = tpu.memref_squeeze %dma_wait3A_625 : memref<1x1x128xi32, #tpu.memory_space<vmem>> -> memref<1x128xi32, #tpu.memory_space<vmem>>
            %dma_wait3A_627 = arith.constant 0 : i32
            %dma_wait3A_628 = tpu.memref_slice %arg3[%dma_wait3A_627, %mul3A_613] : memref<1x2048xi32, #tpu.memory_space<hbm>> -> memref<1x128xi32, #tpu.memory_space<hbm>>
            tpu.wait_dma2 semaphore(%dma_wait3A_622 : memref<!tpu.dma_semaphore, #tpu.memory_space<semaphore_mem>>) src(%dma_wait3A_628 : memref<1x128xi32, #tpu.memory_space<hbm>>) dst(%dma_wait3A_626 : memref<1x128xi32, #tpu.memory_space<vmem>>)
            "tpu.trace_stop"() : () -> ()
          } else {
          }
          %jit3A_294 = arith.constant 2 : i32
          %eq3A_295 = arith.constant 0 : i32
          %eq3A_296 = arith.cmpi eq, %jit3A_294, %eq3A_295 : i32
          %jit3A_297 = arith.constant 1 : i32
          %select_n3A_298 = arith.select %eq3A_296, %jit3A_297, %jit3A_294 : i32
          %rem3A_299 = arith.remsi %add3A_155, %select_n3A_298 : i32
          %ne3A_300 = arith.constant 0 : i32
          %ne3A_301 = arith.cmpi ne, %rem3A_299, %ne3A_300 : i32
          %lt3A_302 = arith.constant 0 : i32
          %lt3A_303 = arith.cmpi slt, %rem3A_299, %lt3A_302 : i32
          %lt3A_304 = arith.constant 0 : i32
          %lt3A_305 = arith.cmpi slt, %select_n3A_298, %lt3A_304 : i32
          %ne3A_306 = arith.xori %lt3A_303, %lt3A_305 : i1
          %and3A_307 = arith.andi %ne3A_306, %ne3A_301 : i1
          %add3A_308 = arith.addi %rem3A_299, %select_n3A_298 : i32
          %select_n3A_309 = arith.select %and3A_307, %add3A_308, %rem3A_299 : i32
          %jit3A_310 = arith.constant 2 : i32
          %div3A_311 = arith.divsi %add3A_155, %jit3A_310 : i32
          %sign3A_312 = arith.constant 0 : i32
          %sign3A_313 = arith.cmpi sgt, %add3A_155, %sign3A_312 : i32
          %sign3A_314 = arith.extui %sign3A_313 : i1 to i32
          %sign3A_315 = arith.constant 0 : i32
          %sign3A_316 = arith.cmpi slt, %add3A_155, %sign3A_315 : i32
          %sign3A_317 = arith.extui %sign3A_316 : i1 to i32
          %sign3A_318 = arith.subi %sign3A_314, %sign3A_317 : i32
          %sign3A_319 = arith.constant 0 : i32
          %sign3A_320 = arith.cmpi sgt, %jit3A_310, %sign3A_319 : i32
          %sign3A_321 = arith.extui %sign3A_320 : i1 to i32
          %sign3A_322 = arith.constant 0 : i32
          %sign3A_323 = arith.cmpi slt, %jit3A_310, %sign3A_322 : i32
          %sign3A_324 = arith.extui %sign3A_323 : i1 to i32
          %sign3A_325 = arith.subi %sign3A_321, %sign3A_324 : i32
          %ne3A_326 = arith.cmpi ne, %sign3A_318, %sign3A_325 : i32
          %rem3A_327 = arith.remsi %add3A_155, %jit3A_310 : i32
          %ne3A_328 = arith.constant 0 : i32
          %ne3A_329 = arith.cmpi ne, %rem3A_327, %ne3A_328 : i32
          %and3A_330 = arith.andi %ne3A_326, %ne3A_329 : i1
          %sub3A_331 = arith.constant 1 : i32
          %sub3A_332 = arith.subi %div3A_311, %sub3A_331 : i32
          %select_n3A_333 = arith.select %and3A_330, %sub3A_332, %div3A_311 : i32
          %jit3A_334 = arith.constant 2 : i32
          %eq3A_335 = arith.constant 0 : i32
          %eq3A_336 = arith.cmpi eq, %jit3A_334, %eq3A_335 : i32
          %jit3A_337 = arith.constant 1 : i32
          %select_n3A_338 = arith.select %eq3A_336, %jit3A_337, %jit3A_334 : i32
          %rem3A_339 = arith.remsi %add3A_165, %select_n3A_338 : i32
          %ne3A_340 = arith.constant 0 : i32
          %ne3A_341 = arith.cmpi ne, %rem3A_339, %ne3A_340 : i32
          %lt3A_342 = arith.constant 0 : i32
          %lt3A_343 = arith.cmpi slt, %rem3A_339, %lt3A_342 : i32
          %lt3A_344 = arith.constant 0 : i32
          %lt3A_345 = arith.cmpi slt, %select_n3A_338, %lt3A_344 : i32
          %ne3A_346 = arith.xori %lt3A_343, %lt3A_345 : i1
          %and3A_347 = arith.andi %ne3A_346, %ne3A_341 : i1
          %add3A_348 = arith.addi %rem3A_339, %select_n3A_338 : i32
          %select_n3A_349 = arith.select %and3A_347, %add3A_348, %rem3A_339 : i32
          %jit3A_350 = arith.constant 2 : i32
          %div3A_351 = arith.divsi %add3A_165, %jit3A_350 : i32
          %sign3A_352 = arith.constant 0 : i32
          %sign3A_353 = arith.cmpi sgt, %add3A_165, %sign3A_352 : i32
          %sign3A_354 = arith.extui %sign3A_353 : i1 to i32
          %sign3A_355 = arith.constant 0 : i32
          %sign3A_356 = arith.cmpi slt, %add3A_165, %sign3A_355 : i32
          %sign3A_357 = arith.extui %sign3A_356 : i1 to i32
          %sign3A_358 = arith.subi %sign3A_354, %sign3A_357 : i32
          %sign3A_359 = arith.constant 0 : i32
          %sign3A_360 = arith.cmpi sgt, %jit3A_350, %sign3A_359 : i32
          %sign3A_361 = arith.extui %sign3A_360 : i1 to i32
          %sign3A_362 = arith.constant 0 : i32
          %sign3A_363 = arith.cmpi slt, %jit3A_350, %sign3A_362 : i32
          %sign3A_364 = arith.extui %sign3A_363 : i1 to i32
          %sign3A_365 = arith.subi %sign3A_361, %sign3A_364 : i32
          %ne3A_366 = arith.cmpi ne, %sign3A_358, %sign3A_365 : i32
          %rem3A_367 = arith.remsi %add3A_165, %jit3A_350 : i32
          %ne3A_368 = arith.constant 0 : i32
          %ne3A_369 = arith.cmpi ne, %rem3A_367, %ne3A_368 : i32
          %and3A_370 = arith.andi %ne3A_366, %ne3A_369 : i1
          %sub3A_371 = arith.constant 1 : i32
          %sub3A_372 = arith.subi %div3A_351, %sub3A_371 : i32
          %select_n3A_373 = arith.select %and3A_370, %sub3A_372, %div3A_351 : i32
          %ne3A_374 = arith.cmpi ne, %select_n3A_309, %select_n3A_349 : i32
          %ne3A_375 = arith.cmpi ne, %select_n3A_333, %select_n3A_373 : i32
          %or3A_376 = arith.constant false
          %or3A_377 = arith.ori %or3A_376, %ne3A_374 : i1
          %or3A_378 = arith.ori %or3A_377, %ne3A_375 : i1
          %or3A_379 = arith.ori %or3A_378, %eq3A_151 : i1
          %convert_element_type3A_380 = arith.extui %or3A_379 : i1 to i32
          %cond3A_381 = arith.constant 0 : i32
          %cond3A_382 = arith.cmpi ne, %convert_element_type3A_380, %cond3A_381 : i32
          scf.if %cond3A_382 {
          } else {
          }
          %rem3A_383 = arith.constant 2 : i32
          %rem3A_384 = arith.remui %while3A_144, %rem3A_383 : i32
          %rem3A_385 = arith.constant 2 : i32
          %rem3A_386 = arith.remui %while3A_145, %rem3A_385 : i32
          %run_scoped3A_387 = arith.constant 0 : i32
          "tpu.trace_start"() <{level = 10 : i32, message = "ep_run_kernel"}> : () -> ()
          "tpu.region"() ({
            %run_scoped3A_612 = tpu.sem_alloc : memref<!tpu.dma_semaphore, #tpu.memory_space<semaphore_mem>>
            %dma_start3A_613 = arith.constant 0 : i32
            %dma_start3A_614 = arith.constant 0 : i32
            %dma_start3A_615 = tpu.memref_slice %run_scoped3A_18[%rem3A_386, %dma_start3A_613, %dma_start3A_614] : memref<2x128x256xf32, #tpu.memory_space<vmem>> -> memref<1x128x256xf32, #tpu.memory_space<vmem>>
            %dma_start3A_616 = tpu.memref_squeeze %dma_start3A_615 : memref<1x128x256xf32, #tpu.memory_space<vmem>> -> memref<128x256xf32, #tpu.memory_space<vmem>>
            %dma_start3A_617 = arith.constant 0 : i32
            %dma_start3A_618 = arith.constant 0 : i32
            %dma_start3A_619 = tpu.memref_slice %run_scoped3A[%rem3A_384, %dma_start3A_617, %dma_start3A_618] : memref<2x1x128xi32, #tpu.memory_space<vmem>> -> memref<1x1x128xi32, #tpu.memory_space<vmem>>
            %dma_start3A_620 = tpu.memref_squeeze %dma_start3A_619 : memref<1x1x128xi32, #tpu.memory_space<vmem>> -> memref<1x128xi32, #tpu.memory_space<vmem>>
            %dma_start3A_621 = arith.constant 0 : i32
            %dma_start3A_622 = tpu.memref_slice %dma_start3A_620[%run_scoped3A_387, %dma_start3A_621] : memref<1x128xi32, #tpu.memory_space<vmem>> -> memref<1x128xi32, #tpu.memory_space<vmem>>
            %dma_start3A_623 = tpu.memref_squeeze %dma_start3A_622 : memref<1x128xi32, #tpu.memory_space<vmem>> -> memref<128xi32, #tpu.memory_space<vmem>>
            %dma_start3A_624 = arith.constant 0 : i32
            %dma_start3A_625 = arith.constant 0 : i32
            %dma_start3A_626 = tpu.memref_slice %arg2[%dma_start3A_624, %dma_start3A_625] : memref<65536x256xf32, #tpu.memory_space<hbm>> -> memref<65536x256xf32, #tpu.memory_space<hbm>>
            tpu.enqueue_indirect_dma source(%dma_start3A_626 : memref<65536x256xf32, #tpu.memory_space<hbm>>) target(%dma_start3A_616 : memref<128x256xf32, #tpu.memory_space<vmem>>) offsets(%dma_start3A_623 : memref<128xi32, #tpu.memory_space<vmem>>) semaphore(%run_scoped3A_612 : memref<!tpu.dma_semaphore, #tpu.memory_space<semaphore_mem>>)
            %dma_wait3A = arith.constant 0 : i32
            %dma_wait3A_627 = arith.constant 0 : i32
            %dma_wait3A_628 = tpu.memref_slice %run_scoped3A_18[%rem3A_386, %dma_wait3A, %dma_wait3A_627] : memref<2x128x256xf32, #tpu.memory_space<vmem>> -> memref<1x128x256xf32, #tpu.memory_space<vmem>>
            %dma_wait3A_629 = tpu.memref_squeeze %dma_wait3A_628 : memref<1x128x256xf32, #tpu.memory_space<vmem>> -> memref<128x256xf32, #tpu.memory_space<vmem>>
            %dma_wait3A_630 = arith.constant 0 : i32
            %dma_wait3A_631 = arith.constant 0 : i32
            %dma_wait3A_632 = tpu.memref_slice %run_scoped3A[%rem3A_384, %dma_wait3A_630, %dma_wait3A_631] : memref<2x1x128xi32, #tpu.memory_space<vmem>> -> memref<1x1x128xi32, #tpu.memory_space<vmem>>
            %dma_wait3A_633 = tpu.memref_squeeze %dma_wait3A_632 : memref<1x1x128xi32, #tpu.memory_space<vmem>> -> memref<1x128xi32, #tpu.memory_space<vmem>>
            %dma_wait3A_634 = arith.constant 0 : i32
            %dma_wait3A_635 = tpu.memref_slice %dma_wait3A_633[%run_scoped3A_387, %dma_wait3A_634] : memref<1x128xi32, #tpu.memory_space<vmem>> -> memref<1x128xi32, #tpu.memory_space<vmem>>
            %dma_wait3A_636 = tpu.memref_squeeze %dma_wait3A_635 : memref<1x128xi32, #tpu.memory_space<vmem>> -> memref<128xi32, #tpu.memory_space<vmem>>
            %dma_wait3A_637 = arith.constant 0 : i32
            %dma_wait3A_638 = arith.constant 0 : i32
            %dma_wait3A_639 = tpu.memref_slice %arg2[%dma_wait3A_637, %dma_wait3A_638] : memref<65536x256xf32, #tpu.memory_space<hbm>> -> memref<65536x256xf32, #tpu.memory_space<hbm>>
            tpu.wait_indirect_dma semaphore(%run_scoped3A_612 : memref<!tpu.dma_semaphore, #tpu.memory_space<semaphore_mem>>) src(%dma_wait3A_639 : memref<65536x256xf32, #tpu.memory_space<hbm>>) dst(%dma_wait3A_629 : memref<128x256xf32, #tpu.memory_space<vmem>>)
            tpu.yield
          }) : () -> ()
          "tpu.trace_stop"() : () -> ()
          %ne3A_388 = arith.cmpi ne, %add3A_155, %add3A_173 : i32
          %or3A_389 = arith.constant false
          %or3A_390 = arith.ori %or3A_389, %ne3A_388 : i1
          %or3A_391 = arith.ori %or3A_390, %eq3A_154 : i1
          %convert_element_type3A_392 = arith.extui %or3A_391 : i1 to i32
          %cond3A_393 = arith.constant 0 : i32
          %cond3A_394 = arith.cmpi ne, %convert_element_type3A_392, %cond3A_393 : i32
          scf.if %cond3A_394 {
          } else {
          }
          %and3A_395 = arith.constant false
          %and3A_396 = arith.andi %or3A_391, %and3A_395 : i1
          %jit3A_397 = arith.constant 2 : i32
          %eq3A_398 = arith.constant 0 : i32
          %eq3A_399 = arith.cmpi eq, %jit3A_397, %eq3A_398 : i32
          %jit3A_400 = arith.constant 1 : i32
          %select_n3A_401 = arith.select %eq3A_399, %jit3A_400, %jit3A_397 : i32
          %rem3A_402 = arith.remsi %add3A_155, %select_n3A_401 : i32
          %ne3A_403 = arith.constant 0 : i32
          %ne3A_404 = arith.cmpi ne, %rem3A_402, %ne3A_403 : i32
          %lt3A_405 = arith.constant 0 : i32
          %lt3A_406 = arith.cmpi slt, %rem3A_402, %lt3A_405 : i32
          %lt3A_407 = arith.constant 0 : i32
          %lt3A_408 = arith.cmpi slt, %select_n3A_401, %lt3A_407 : i32
          %ne3A_409 = arith.xori %lt3A_406, %lt3A_408 : i1
          %and3A_410 = arith.andi %ne3A_409, %ne3A_404 : i1
          %add3A_411 = arith.addi %rem3A_402, %select_n3A_401 : i32
          %select_n3A_412 = arith.select %and3A_410, %add3A_411, %rem3A_402 : i32
          %jit3A_413 = arith.constant 2 : i32
          %div3A_414 = arith.divsi %add3A_155, %jit3A_413 : i32
          %sign3A_415 = arith.constant 0 : i32
          %sign3A_416 = arith.cmpi sgt, %add3A_155, %sign3A_415 : i32
          %sign3A_417 = arith.extui %sign3A_416 : i1 to i32
          %sign3A_418 = arith.constant 0 : i32
          %sign3A_419 = arith.cmpi slt, %add3A_155, %sign3A_418 : i32
          %sign3A_420 = arith.extui %sign3A_419 : i1 to i32
          %sign3A_421 = arith.subi %sign3A_417, %sign3A_420 : i32
          %sign3A_422 = arith.constant 0 : i32
          %sign3A_423 = arith.cmpi sgt, %jit3A_413, %sign3A_422 : i32
          %sign3A_424 = arith.extui %sign3A_423 : i1 to i32
          %sign3A_425 = arith.constant 0 : i32
          %sign3A_426 = arith.cmpi slt, %jit3A_413, %sign3A_425 : i32
          %sign3A_427 = arith.extui %sign3A_426 : i1 to i32
          %sign3A_428 = arith.subi %sign3A_424, %sign3A_427 : i32
          %ne3A_429 = arith.cmpi ne, %sign3A_421, %sign3A_428 : i32
          %rem3A_430 = arith.remsi %add3A_155, %jit3A_413 : i32
          %ne3A_431 = arith.constant 0 : i32
          %ne3A_432 = arith.cmpi ne, %rem3A_430, %ne3A_431 : i32
          %and3A_433 = arith.andi %ne3A_429, %ne3A_432 : i1
          %sub3A_434 = arith.constant 1 : i32
          %sub3A_435 = arith.subi %div3A_414, %sub3A_434 : i32
          %select_n3A_436 = arith.select %and3A_433, %sub3A_435, %div3A_414 : i32
          %jit3A_437 = arith.constant 2 : i32
          %eq3A_438 = arith.constant 0 : i32
          %eq3A_439 = arith.cmpi eq, %jit3A_437, %eq3A_438 : i32
          %jit3A_440 = arith.constant 1 : i32
          %select_n3A_441 = arith.select %eq3A_439, %jit3A_440, %jit3A_437 : i32
          %rem3A_442 = arith.remsi %add3A_173, %select_n3A_441 : i32
          %ne3A_443 = arith.constant 0 : i32
          %ne3A_444 = arith.cmpi ne, %rem3A_442, %ne3A_443 : i32
          %lt3A_445 = arith.constant 0 : i32
          %lt3A_446 = arith.cmpi slt, %rem3A_442, %lt3A_445 : i32
          %lt3A_447 = arith.constant 0 : i32
          %lt3A_448 = arith.cmpi slt, %select_n3A_441, %lt3A_447 : i32
          %ne3A_449 = arith.xori %lt3A_446, %lt3A_448 : i1
          %and3A_450 = arith.andi %ne3A_449, %ne3A_444 : i1
          %add3A_451 = arith.addi %rem3A_442, %select_n3A_441 : i32
          %select_n3A_452 = arith.select %and3A_450, %add3A_451, %rem3A_442 : i32
          %jit3A_453 = arith.constant 2 : i32
          %div3A_454 = arith.divsi %add3A_173, %jit3A_453 : i32
          %sign3A_455 = arith.constant 0 : i32
          %sign3A_456 = arith.cmpi sgt, %add3A_173, %sign3A_455 : i32
          %sign3A_457 = arith.extui %sign3A_456 : i1 to i32
          %sign3A_458 = arith.constant 0 : i32
          %sign3A_459 = arith.cmpi slt, %add3A_173, %sign3A_458 : i32
          %sign3A_460 = arith.extui %sign3A_459 : i1 to i32
          %sign3A_461 = arith.subi %sign3A_457, %sign3A_460 : i32
          %sign3A_462 = arith.constant 0 : i32
          %sign3A_463 = arith.cmpi sgt, %jit3A_453, %sign3A_462 : i32
          %sign3A_464 = arith.extui %sign3A_463 : i1 to i32
          %sign3A_465 = arith.constant 0 : i32
          %sign3A_466 = arith.cmpi slt, %jit3A_453, %sign3A_465 : i32
          %sign3A_467 = arith.extui %sign3A_466 : i1 to i32
          %sign3A_468 = arith.subi %sign3A_464, %sign3A_467 : i32
          %ne3A_469 = arith.cmpi ne, %sign3A_461, %sign3A_468 : i32
          %rem3A_470 = arith.remsi %add3A_173, %jit3A_453 : i32
          %ne3A_471 = arith.constant 0 : i32
          %ne3A_472 = arith.cmpi ne, %rem3A_470, %ne3A_471 : i32
          %and3A_473 = arith.andi %ne3A_469, %ne3A_472 : i1
          %sub3A_474 = arith.constant 1 : i32
          %sub3A_475 = arith.subi %div3A_454, %sub3A_474 : i32
          %select_n3A_476 = arith.select %and3A_473, %sub3A_475, %div3A_454 : i32
          %ne3A_477 = arith.cmpi ne, %select_n3A_412, %select_n3A_452 : i32
          %ne3A_478 = arith.cmpi ne, %select_n3A_436, %select_n3A_476 : i32
          %or3A_479 = arith.constant false
          %or3A_480 = arith.ori %or3A_479, %ne3A_477 : i1
          %or3A_481 = arith.ori %or3A_480, %ne3A_478 : i1
          %or3A_482 = arith.ori %or3A_481, %eq3A_154 : i1
          %convert_element_type3A_483 = arith.extui %or3A_482 : i1 to i32
          %cond3A_484 = arith.constant 0 : i32
          %cond3A_485 = arith.cmpi ne, %convert_element_type3A_483, %cond3A_484 : i32
          scf.if %cond3A_485 {
            "tpu.trace_start"() <{level = 10 : i32, message = "ep_copy_out"}> : () -> ()
            %rem3A_612 = arith.constant 2 : i32
            %rem3A_613 = arith.remui %while3A_145, %rem3A_612 : i32
            %jit3A_614 = arith.constant 2 : i32
            %eq3A_615 = arith.constant 0 : i32
            %eq3A_616 = arith.cmpi eq, %jit3A_614, %eq3A_615 : i32
            %jit3A_617 = arith.constant 1 : i32
            %select_n3A_618 = arith.select %eq3A_616, %jit3A_617, %jit3A_614 : i32
            %rem3A_619 = arith.remsi %add3A_155, %select_n3A_618 : i32
            %ne3A_620 = arith.constant 0 : i32
            %ne3A_621 = arith.cmpi ne, %rem3A_619, %ne3A_620 : i32
            %lt3A_622 = arith.constant 0 : i32
            %lt3A_623 = arith.cmpi slt, %rem3A_619, %lt3A_622 : i32
            %lt3A_624 = arith.constant 0 : i32
            %lt3A_625 = arith.cmpi slt, %select_n3A_618, %lt3A_624 : i32
            %ne3A_626 = arith.xori %lt3A_623, %lt3A_625 : i1
            %and3A_627 = arith.andi %ne3A_626, %ne3A_621 : i1
            %add3A_628 = arith.addi %rem3A_619, %select_n3A_618 : i32
            %select_n3A_629 = arith.select %and3A_627, %add3A_628, %rem3A_619 : i32
            %jit3A_630 = arith.constant 2 : i32
            %div3A_631 = arith.divsi %add3A_155, %jit3A_630 : i32
            %sign3A_632 = arith.constant 0 : i32
            %sign3A_633 = arith.cmpi sgt, %add3A_155, %sign3A_632 : i32
            %sign3A_634 = arith.extui %sign3A_633 : i1 to i32
            %sign3A_635 = arith.constant 0 : i32
            %sign3A_636 = arith.cmpi slt, %add3A_155, %sign3A_635 : i32
            %sign3A_637 = arith.extui %sign3A_636 : i1 to i32
            %sign3A_638 = arith.subi %sign3A_634, %sign3A_637 : i32
            %sign3A_639 = arith.constant 0 : i32
            %sign3A_640 = arith.cmpi sgt, %jit3A_630, %sign3A_639 : i32
            %sign3A_641 = arith.extui %sign3A_640 : i1 to i32
            %sign3A_642 = arith.constant 0 : i32
            %sign3A_643 = arith.cmpi slt, %jit3A_630, %sign3A_642 : i32
            %sign3A_644 = arith.extui %sign3A_643 : i1 to i32
            %sign3A_645 = arith.subi %sign3A_641, %sign3A_644 : i32
            %ne3A_646 = arith.cmpi ne, %sign3A_638, %sign3A_645 : i32
            %rem3A_647 = arith.remsi %add3A_155, %jit3A_630 : i32
            %ne3A_648 = arith.constant 0 : i32
            %ne3A_649 = arith.cmpi ne, %rem3A_647, %ne3A_648 : i32
            %and3A_650 = arith.andi %ne3A_646, %ne3A_649 : i1
            %sub3A_651 = arith.constant 1 : i32
            %sub3A_652 = arith.subi %div3A_631, %sub3A_651 : i32
            %select_n3A_653 = arith.select %and3A_650, %sub3A_652, %div3A_631 : i32
            %mul3A_654 = arith.constant 128 : i32
            %mul3A_655 = arith.muli %mul3A_654, %select_n3A_629 : i32
            %mul3A_656 = arith.constant 256 : i32
            %mul3A_657 = arith.muli %mul3A_656, %select_n3A_653 : i32
            %dma_start3A_658 = arith.constant 0 : i32
            %dma_start3A_659 = arith.constant 0 : i32
            %dma_start3A_660 = tpu.memref_slice %run_scoped3A_18[%rem3A_613, %dma_start3A_658, %dma_start3A_659] : memref<2x128x256xf32, #tpu.memory_space<vmem>> -> memref<1x128x256xf32, #tpu.memory_space<vmem>>
            %dma_start3A_661 = tpu.memref_squeeze %dma_start3A_660 : memref<1x128x256xf32, #tpu.memory_space<vmem>> -> memref<128x256xf32, #tpu.memory_space<vmem>>
            %dma_start3A_662 = tpu.memref_slice %arg4[%mul3A_655, %mul3A_657] : memref<256x2048xf32, #tpu.memory_space<hbm>> -> memref<128x256xf32, #tpu.memory_space<hbm>>
            %dma_start3A_663 = tpu.memref_slice %run_scoped3A_19[%rem3A_613] : memref<2x!tpu.dma_semaphore, #tpu.memory_space<semaphore_mem>> -> memref<1x!tpu.dma_semaphore, #tpu.memory_space<semaphore_mem>>
            %dma_start3A_664 = tpu.memref_squeeze %dma_start3A_663 : memref<1x!tpu.dma_semaphore, #tpu.memory_space<semaphore_mem>> -> memref<!tpu.dma_semaphore, #tpu.memory_space<semaphore_mem>>
            %dma_start3A_665 = tpu.memref_slice %arg4[%mul3A_655, %mul3A_657] : memref<256x2048xf32, #tpu.memory_space<hbm>> -> memref<128x256xf32, #tpu.memory_space<hbm>>
            %dma_start3A_666 = arith.constant 0 : i32
            %dma_start3A_667 = arith.constant 0 : i32
            %dma_start3A_668 = tpu.memref_slice %run_scoped3A_18[%rem3A_613, %dma_start3A_666, %dma_start3A_667] : memref<2x128x256xf32, #tpu.memory_space<vmem>> -> memref<1x128x256xf32, #tpu.memory_space<vmem>>
            %dma_start3A_669 = tpu.memref_squeeze %dma_start3A_668 : memref<1x128x256xf32, #tpu.memory_space<vmem>> -> memref<128x256xf32, #tpu.memory_space<vmem>>
            tpu.enqueue_dma source(%dma_start3A_669 : memref<128x256xf32, #tpu.memory_space<vmem>>) target(%dma_start3A_665 : memref<128x256xf32, #tpu.memory_space<hbm>>) target_semaphore(%dma_start3A_664 : memref<!tpu.dma_semaphore, #tpu.memory_space<semaphore_mem>>)
            "tpu.trace_stop"() : () -> ()
          } else {
          }
          %and3A_486 = arith.constant true
          %and3A_487 = arith.andi %or3A_482, %and3A_486 : i1
          %add3A_488 = arith.constant 1 : i32
          %add3A_489 = arith.addi %while3A_145, %add3A_488 : i32
          %select_n3A_490 = arith.select %and3A_487, %add3A_489, %while3A_145 : i32
          %ne3A_491 = arith.cmpi ne, %add3A_155, %add3A_165 : i32
          %or3A_492 = arith.constant false
          %or3A_493 = arith.ori %or3A_492, %ne3A_491 : i1
          %not3A_494 = arith.constant true
          %not3A_495 = arith.xori %eq3A_151, %not3A_494 : i1
          %and3A_496 = arith.andi %or3A_493, %not3A_495 : i1
          %convert_element_type3A_497 = arith.extui %and3A_496 : i1 to i32
          %cond3A_498 = arith.constant 0 : i32
          %cond3A_499 = arith.cmpi ne, %convert_element_type3A_497, %cond3A_498 : i32
          scf.if %cond3A_499 {
          } else {
          }
          %and3A_500 = arith.constant false
          %and3A_501 = arith.andi %and3A_496, %and3A_500 : i1
          %jit3A_502 = arith.constant 2 : i32
          %eq3A_503 = arith.constant 0 : i32
          %eq3A_504 = arith.cmpi eq, %jit3A_502, %eq3A_503 : i32
          %jit3A_505 = arith.constant 1 : i32
          %select_n3A_506 = arith.select %eq3A_504, %jit3A_505, %jit3A_502 : i32
          %rem3A_507 = arith.remsi %add3A_155, %select_n3A_506 : i32
          %ne3A_508 = arith.constant 0 : i32
          %ne3A_509 = arith.cmpi ne, %rem3A_507, %ne3A_508 : i32
          %lt3A_510 = arith.constant 0 : i32
          %lt3A_511 = arith.cmpi slt, %rem3A_507, %lt3A_510 : i32
          %lt3A_512 = arith.constant 0 : i32
          %lt3A_513 = arith.cmpi slt, %select_n3A_506, %lt3A_512 : i32
          %ne3A_514 = arith.xori %lt3A_511, %lt3A_513 : i1
          %and3A_515 = arith.andi %ne3A_514, %ne3A_509 : i1
          %add3A_516 = arith.addi %rem3A_507, %select_n3A_506 : i32
          %select_n3A_517 = arith.select %and3A_515, %add3A_516, %rem3A_507 : i32
          %jit3A_518 = arith.constant 2 : i32
          %div3A_519 = arith.divsi %add3A_155, %jit3A_518 : i32
          %sign3A_520 = arith.constant 0 : i32
          %sign3A_521 = arith.cmpi sgt, %add3A_155, %sign3A_520 : i32
          %sign3A_522 = arith.extui %sign3A_521 : i1 to i32
          %sign3A_523 = arith.constant 0 : i32
          %sign3A_524 = arith.cmpi slt, %add3A_155, %sign3A_523 : i32
          %sign3A_525 = arith.extui %sign3A_524 : i1 to i32
          %sign3A_526 = arith.subi %sign3A_522, %sign3A_525 : i32
          %sign3A_527 = arith.constant 0 : i32
          %sign3A_528 = arith.cmpi sgt, %jit3A_518, %sign3A_527 : i32
          %sign3A_529 = arith.extui %sign3A_528 : i1 to i32
          %sign3A_530 = arith.constant 0 : i32
          %sign3A_531 = arith.cmpi slt, %jit3A_518, %sign3A_530 : i32
          %sign3A_532 = arith.extui %sign3A_531 : i1 to i32
          %sign3A_533 = arith.subi %sign3A_529, %sign3A_532 : i32
          %ne3A_534 = arith.cmpi ne, %sign3A_526, %sign3A_533 : i32
          %rem3A_535 = arith.remsi %add3A_155, %jit3A_518 : i32
          %ne3A_536 = arith.constant 0 : i32
          %ne3A_537 = arith.cmpi ne, %rem3A_535, %ne3A_536 : i32
          %and3A_538 = arith.andi %ne3A_534, %ne3A_537 : i1
          %sub3A_539 = arith.constant 1 : i32
          %sub3A_540 = arith.subi %div3A_519, %sub3A_539 : i32
          %select_n3A_541 = arith.select %and3A_538, %sub3A_540, %div3A_519 : i32
          %jit3A_542 = arith.constant 2 : i32
          %eq3A_543 = arith.constant 0 : i32
          %eq3A_544 = arith.cmpi eq, %jit3A_542, %eq3A_543 : i32
          %jit3A_545 = arith.constant 1 : i32
          %select_n3A_546 = arith.select %eq3A_544, %jit3A_545, %jit3A_542 : i32
          %rem3A_547 = arith.remsi %add3A_165, %select_n3A_546 : i32
          %ne3A_548 = arith.constant 0 : i32
          %ne3A_549 = arith.cmpi ne, %rem3A_547, %ne3A_548 : i32
          %lt3A_550 = arith.constant 0 : i32
          %lt3A_551 = arith.cmpi slt, %rem3A_547, %lt3A_550 : i32
          %lt3A_552 = arith.constant 0 : i32
          %lt3A_553 = arith.cmpi slt, %select_n3A_546, %lt3A_552 : i32
          %ne3A_554 = arith.xori %lt3A_551, %lt3A_553 : i1
          %and3A_555 = arith.andi %ne3A_554, %ne3A_549 : i1
          %add3A_556 = arith.addi %rem3A_547, %select_n3A_546 : i32
          %select_n3A_557 = arith.select %and3A_555, %add3A_556, %rem3A_547 : i32
          %jit3A_558 = arith.constant 2 : i32
          %div3A_559 = arith.divsi %add3A_165, %jit3A_558 : i32
          %sign3A_560 = arith.constant 0 : i32
          %sign3A_561 = arith.cmpi sgt, %add3A_165, %sign3A_560 : i32
          %sign3A_562 = arith.extui %sign3A_561 : i1 to i32
          %sign3A_563 = arith.constant 0 : i32
          %sign3A_564 = arith.cmpi slt, %add3A_165, %sign3A_563 : i32
          %sign3A_565 = arith.extui %sign3A_564 : i1 to i32
          %sign3A_566 = arith.subi %sign3A_562, %sign3A_565 : i32
          %sign3A_567 = arith.constant 0 : i32
          %sign3A_568 = arith.cmpi sgt, %jit3A_558, %sign3A_567 : i32
          %sign3A_569 = arith.extui %sign3A_568 : i1 to i32
          %sign3A_570 = arith.constant 0 : i32
          %sign3A_571 = arith.cmpi slt, %jit3A_558, %sign3A_570 : i32
          %sign3A_572 = arith.extui %sign3A_571 : i1 to i32
          %sign3A_573 = arith.subi %sign3A_569, %sign3A_572 : i32
          %ne3A_574 = arith.cmpi ne, %sign3A_566, %sign3A_573 : i32
          %rem3A_575 = arith.remsi %add3A_165, %jit3A_558 : i32
          %ne3A_576 = arith.constant 0 : i32
          %ne3A_577 = arith.cmpi ne, %rem3A_575, %ne3A_576 : i32
          %and3A_578 = arith.andi %ne3A_574, %ne3A_577 : i1
          %sub3A_579 = arith.constant 1 : i32
          %sub3A_580 = arith.subi %div3A_559, %sub3A_579 : i32
          %select_n3A_581 = arith.select %and3A_578, %sub3A_580, %div3A_559 : i32
          %ne3A_582 = arith.cmpi ne, %select_n3A_517, %select_n3A_557 : i32
          %ne3A_583 = arith.cmpi ne, %select_n3A_541, %select_n3A_581 : i32
          %or3A_584 = arith.constant false
          %or3A_585 = arith.ori %or3A_584, %ne3A_582 : i1
          %or3A_586 = arith.ori %or3A_585, %ne3A_583 : i1
          %not3A_587 = arith.constant true
          %not3A_588 = arith.xori %eq3A_151, %not3A_587 : i1
          %and3A_589 = arith.andi %or3A_586, %not3A_588 : i1
          %convert_element_type3A_590 = arith.extui %and3A_589 : i1 to i32
          %cond3A_591 = arith.constant 0 : i32
          %cond3A_592 = arith.cmpi ne, %convert_element_type3A_590, %cond3A_591 : i32
          scf.if %cond3A_592 {
            "tpu.trace_start"() <{level = 10 : i32, message = "ep_wait_out"}> : () -> ()
            %rem3A_612 = arith.constant 2 : i32
            %rem3A_613 = arith.remui %while3A_146, %rem3A_612 : i32
            %jit3A_614 = arith.constant 2 : i32
            %eq3A_615 = arith.constant 0 : i32
            %eq3A_616 = arith.cmpi eq, %jit3A_614, %eq3A_615 : i32
            %jit3A_617 = arith.constant 1 : i32
            %select_n3A_618 = arith.select %eq3A_616, %jit3A_617, %jit3A_614 : i32
            %rem3A_619 = arith.remsi %add3A_165, %select_n3A_618 : i32
            %ne3A_620 = arith.constant 0 : i32
            %ne3A_621 = arith.cmpi ne, %rem3A_619, %ne3A_620 : i32
            %lt3A_622 = arith.constant 0 : i32
            %lt3A_623 = arith.cmpi slt, %rem3A_619, %lt3A_622 : i32
            %lt3A_624 = arith.constant 0 : i32
            %lt3A_625 = arith.cmpi slt, %select_n3A_618, %lt3A_624 : i32
            %ne3A_626 = arith.xori %lt3A_623, %lt3A_625 : i1
            %and3A_627 = arith.andi %ne3A_626, %ne3A_621 : i1
            %add3A_628 = arith.addi %rem3A_619, %select_n3A_618 : i32
            %select_n3A_629 = arith.select %and3A_627, %add3A_628, %rem3A_619 : i32
            %jit3A_630 = arith.constant 2 : i32
            %div3A_631 = arith.divsi %add3A_165, %jit3A_630 : i32
            %sign3A_632 = arith.constant 0 : i32
            %sign3A_633 = arith.cmpi sgt, %add3A_165, %sign3A_632 : i32
            %sign3A_634 = arith.extui %sign3A_633 : i1 to i32
            %sign3A_635 = arith.constant 0 : i32
            %sign3A_636 = arith.cmpi slt, %add3A_165, %sign3A_635 : i32
            %sign3A_637 = arith.extui %sign3A_636 : i1 to i32
            %sign3A_638 = arith.subi %sign3A_634, %sign3A_637 : i32
            %sign3A_639 = arith.constant 0 : i32
            %sign3A_640 = arith.cmpi sgt, %jit3A_630, %sign3A_639 : i32
            %sign3A_641 = arith.extui %sign3A_640 : i1 to i32
            %sign3A_642 = arith.constant 0 : i32
            %sign3A_643 = arith.cmpi slt, %jit3A_630, %sign3A_642 : i32
            %sign3A_644 = arith.extui %sign3A_643 : i1 to i32
            %sign3A_645 = arith.subi %sign3A_641, %sign3A_644 : i32
            %ne3A_646 = arith.cmpi ne, %sign3A_638, %sign3A_645 : i32
            %rem3A_647 = arith.remsi %add3A_165, %jit3A_630 : i32
            %ne3A_648 = arith.constant 0 : i32
            %ne3A_649 = arith.cmpi ne, %rem3A_647, %ne3A_648 : i32
            %and3A_650 = arith.andi %ne3A_646, %ne3A_649 : i1
            %sub3A_651 = arith.constant 1 : i32
            %sub3A_652 = arith.subi %div3A_631, %sub3A_651 : i32
            %select_n3A_653 = arith.select %and3A_650, %sub3A_652, %div3A_631 : i32
            %mul3A_654 = arith.constant 128 : i32
            %mul3A_655 = arith.muli %mul3A_654, %select_n3A_629 : i32
            %mul3A_656 = arith.constant 256 : i32
            %mul3A_657 = arith.muli %mul3A_656, %select_n3A_653 : i32
            %dma_wait3A = arith.constant 0 : i32
            %dma_wait3A_658 = arith.constant 0 : i32
            %dma_wait3A_659 = tpu.memref_slice %run_scoped3A_18[%rem3A_613, %dma_wait3A, %dma_wait3A_658] : memref<2x128x256xf32, #tpu.memory_space<vmem>> -> memref<1x128x256xf32, #tpu.memory_space<vmem>>
            %dma_wait3A_660 = tpu.memref_squeeze %dma_wait3A_659 : memref<1x128x256xf32, #tpu.memory_space<vmem>> -> memref<128x256xf32, #tpu.memory_space<vmem>>
            %dma_wait3A_661 = tpu.memref_slice %arg4[%mul3A_655, %mul3A_657] : memref<256x2048xf32, #tpu.memory_space<hbm>> -> memref<128x256xf32, #tpu.memory_space<hbm>>
            %dma_wait3A_662 = tpu.memref_slice %run_scoped3A_19[%rem3A_613] : memref<2x!tpu.dma_semaphore, #tpu.memory_space<semaphore_mem>> -> memref<1x!tpu.dma_semaphore, #tpu.memory_space<semaphore_mem>>
            %dma_wait3A_663 = tpu.memref_squeeze %dma_wait3A_662 : memref<1x!tpu.dma_semaphore, #tpu.memory_space<semaphore_mem>> -> memref<!tpu.dma_semaphore, #tpu.memory_space<semaphore_mem>>
            %dma_wait3A_664 = tpu.memref_slice %arg4[%mul3A_655, %mul3A_657] : memref<256x2048xf32, #tpu.memory_space<hbm>> -> memref<128x256xf32, #tpu.memory_space<hbm>>
            %dma_wait3A_665 = arith.constant 0 : i32
            %dma_wait3A_666 = arith.constant 0 : i32
            %dma_wait3A_667 = tpu.memref_slice %run_scoped3A_18[%rem3A_613, %dma_wait3A_665, %dma_wait3A_666] : memref<2x128x256xf32, #tpu.memory_space<vmem>> -> memref<1x128x256xf32, #tpu.memory_space<vmem>>
            %dma_wait3A_668 = tpu.memref_squeeze %dma_wait3A_667 : memref<1x128x256xf32, #tpu.memory_space<vmem>> -> memref<128x256xf32, #tpu.memory_space<vmem>>
            tpu.wait_dma2 semaphore(%dma_wait3A_663 : memref<!tpu.dma_semaphore, #tpu.memory_space<semaphore_mem>>) src(%dma_wait3A_668 : memref<128x256xf32, #tpu.memory_space<vmem>>) dst(%dma_wait3A_664 : memref<128x256xf32, #tpu.memory_space<hbm>>)
            "tpu.trace_stop"() : () -> ()
          } else {
          }
          %and3A_593 = arith.constant true
          %and3A_594 = arith.andi %and3A_589, %and3A_593 : i1
          %add3A_595 = arith.constant 1 : i32
          %add3A_596 = arith.addi %while3A_146, %add3A_595 : i32
          %select_n3A_597 = arith.select %and3A_594, %add3A_596, %while3A_146 : i32
          %ne3A_598 = arith.cmpi ne, %add3A_155, %add3A_173 : i32
          %or3A_599 = arith.constant false
          %or3A_600 = arith.ori %or3A_599, %ne3A_598 : i1
          %or3A_601 = arith.ori %or3A_600, %eq3A_154 : i1
          %add3A_602 = arith.constant 1 : i32
          %add3A_603 = arith.addi %while3A_144, %add3A_602 : i32
          %select_n3A_604 = arith.select %or3A_601, %add3A_603, %while3A_144 : i32
          %add3A_605 = arith.constant 1 : i32
          %add3A_606 = arith.addi %while3A_147, %add3A_605 : i32
          %select_n3A_607 = arith.constant true
          %select_n3A_608 = arith.select %select_n3A_607, %add3A_606, %while3A_147 : i32
          %eq3A_609 = arith.cmpi eq, %select_n3A_608, %select_n3A : i32
          %select_n3A_610 = arith.constant 0 : i32
          %select_n3A_611 = arith.select %eq3A_609, %select_n3A_610, %select_n3A_608 : i32
          scf.yield %select_n3A_195, %select_n3A_604, %select_n3A_490, %select_n3A_597, %select_n3A_611 : i32, i32, i32, i32, i32
        }
        %while3A_89 = arith.constant 1 : i32
        %while3A_90:5 = scf.for %while3A_142 = %while3A_86 to %while3A_82 step %while3A_89 iter_args(%while3A_143 = %while3A_88#0, %while3A_144 = %while3A_88#1, %while3A_145 = %while3A_88#2, %while3A_146 = %while3A_88#3, %while3A_147 = %while3A_88#4) -> (i32, i32, i32, i32, i32)  : i32 {
          %mul3A_148 = arith.constant 1 : i32
          %mul3A_149 = arith.muli %mul3A_148, %select_n3A : i32
          %eq3A_150 = arith.constant 0 : i32
          %eq3A_151 = arith.cmpi eq, %while3A_142, %eq3A_150 : i32
          %sub3A_152 = arith.constant 1 : i32
          %sub3A_153 = arith.subi %mul3A_149, %sub3A_152 : i32
          %eq3A_154 = arith.cmpi eq, %while3A_142, %sub3A_153 : i32
          %add3A_155 = arith.addi %while3A_147, %select_n3A_14 : i32
          %sub3A_156 = arith.constant 1 : i32
          %sub3A_157 = arith.subi %while3A_147, %sub3A_156 : i32
          %select_n3A_158 = arith.constant true
          %select_n3A_159 = arith.select %select_n3A_158, %sub3A_157, %while3A_147 : i32
          %eq3A_160 = arith.constant -1 : i32
          %eq3A_161 = arith.cmpi eq, %select_n3A_159, %eq3A_160 : i32
          %sub3A_162 = arith.constant 1 : i32
          %sub3A_163 = arith.subi %select_n3A, %sub3A_162 : i32
          %select_n3A_164 = arith.select %eq3A_161, %sub3A_163, %select_n3A_159 : i32
          %add3A_165 = arith.addi %select_n3A_164, %select_n3A_14 : i32
          %add3A_166 = arith.constant 1 : i32
          %add3A_167 = arith.addi %while3A_147, %add3A_166 : i32
          %select_n3A_168 = arith.constant true
          %select_n3A_169 = arith.select %select_n3A_168, %add3A_167, %while3A_147 : i32
          %eq3A_170 = arith.cmpi eq, %select_n3A_169, %select_n3A : i32
          %select_n3A_171 = arith.constant 0 : i32
          %select_n3A_172 = arith.select %eq3A_170, %select_n3A_171, %select_n3A_169 : i32
          %add3A_173 = arith.addi %select_n3A_172, %select_n3A_14 : i32
          %add3A_174 = arith.constant 1 : i32
          %add3A_175 = arith.addi %select_n3A_172, %add3A_174 : i32
          %select_n3A_176 = arith.constant true
          %select_n3A_177 = arith.select %select_n3A_176, %add3A_175, %select_n3A_172 : i32
          %eq3A_178 = arith.cmpi eq, %select_n3A_177, %select_n3A : i32
          %select_n3A_179 = arith.constant 0 : i32
          %select_n3A_180 = arith.select %eq3A_178, %select_n3A_179, %select_n3A_177 : i32
          %add3A_181 = arith.addi %select_n3A_180, %select_n3A_14 : i32
          %ne3A = arith.cmpi ne, %add3A_155, %add3A_173 : i32
          %or3A = arith.constant false
          %or3A_182 = arith.ori %or3A, %ne3A : i1
          %sub3A_183 = arith.constant 2 : i32
          %sub3A_184 = arith.subi %mul3A_149, %sub3A_183 : i32
          %add3A_185 = arith.constant 1 : i32
          %add3A_186 = arith.addi %sub3A_184, %add3A_185 : i32
          %ge3A = arith.cmpi sge, %while3A_142, %add3A_186 : i32
          %not3A = arith.constant true
          %not3A_187 = arith.xori %ge3A, %not3A : i1
          %and3A = arith.andi %or3A_182, %not3A_187 : i1
          %convert_element_type3A_188 = arith.extui %and3A : i1 to i32
          %cond3A_189 = arith.constant 0 : i32
          %cond3A_190 = arith.cmpi ne, %convert_element_type3A_188, %cond3A_189 : i32
          scf.if %cond3A_190 {
            "tpu.trace_start"() <{level = 10 : i32, message = "ep_copy_in"}> : () -> ()
            %rem3A_612 = arith.constant 2 : i32
            %rem3A_613 = arith.remui %while3A_143, %rem3A_612 : i32
            %mul3A_614 = arith.constant 128 : i32
            %mul3A_615 = arith.muli %mul3A_614, %add3A_173 : i32
            %dma_start3A_616 = arith.constant 0 : i32
            %dma_start3A_617 = arith.constant 0 : i32
            %dma_start3A_618 = tpu.memref_slice %run_scoped3A[%rem3A_613, %dma_start3A_616, %dma_start3A_617] : memref<2x1x128xi32, #tpu.memory_space<vmem>> -> memref<1x1x128xi32, #tpu.memory_space<vmem>>
            %dma_start3A_619 = tpu.memref_squeeze %dma_start3A_618 : memref<1x1x128xi32, #tpu.memory_space<vmem>> -> memref<1x128xi32, #tpu.memory_space<vmem>>
            %dma_start3A_620 = arith.constant 0 : i32
            %dma_start3A_621 = tpu.memref_slice %arg3[%dma_start3A_620, %mul3A_615] : memref<1x2048xi32, #tpu.memory_space<hbm>> -> memref<1x128xi32, #tpu.memory_space<hbm>>
            %dma_start3A_622 = tpu.memref_slice %run_scoped3A_17[%rem3A_613] : memref<2x!tpu.dma_semaphore, #tpu.memory_space<semaphore_mem>> -> memref<1x!tpu.dma_semaphore, #tpu.memory_space<semaphore_mem>>
            %dma_start3A_623 = tpu.memref_squeeze %dma_start3A_622 : memref<1x!tpu.dma_semaphore, #tpu.memory_space<semaphore_mem>> -> memref<!tpu.dma_semaphore, #tpu.memory_space<semaphore_mem>>
            %dma_start3A_624 = arith.constant 0 : i32
            %dma_start3A_625 = arith.constant 0 : i32
            %dma_start3A_626 = tpu.memref_slice %run_scoped3A[%rem3A_613, %dma_start3A_624, %dma_start3A_625] : memref<2x1x128xi32, #tpu.memory_space<vmem>> -> memref<1x1x128xi32, #tpu.memory_space<vmem>>
            %dma_start3A_627 = tpu.memref_squeeze %dma_start3A_626 : memref<1x1x128xi32, #tpu.memory_space<vmem>> -> memref<1x128xi32, #tpu.memory_space<vmem>>
            %dma_start3A_628 = arith.constant 0 : i32
            %dma_start3A_629 = tpu.memref_slice %arg3[%dma_start3A_628, %mul3A_615] : memref<1x2048xi32, #tpu.memory_space<hbm>> -> memref<1x128xi32, #tpu.memory_space<hbm>>
            tpu.enqueue_dma source(%dma_start3A_629 : memref<1x128xi32, #tpu.memory_space<hbm>>) target(%dma_start3A_627 : memref<1x128xi32, #tpu.memory_space<vmem>>) target_semaphore(%dma_start3A_623 : memref<!tpu.dma_semaphore, #tpu.memory_space<semaphore_mem>>)
            "tpu.trace_stop"() : () -> ()
          } else {
          }
          %and3A_191 = arith.constant true
          %and3A_192 = arith.andi %and3A, %and3A_191 : i1
          %add3A_193 = arith.constant 1 : i32
          %add3A_194 = arith.addi %while3A_143, %add3A_193 : i32
          %select_n3A_195 = arith.select %and3A_192, %add3A_194, %while3A_143 : i32
          %jit3A_196 = arith.constant 2 : i32
          %eq3A_197 = arith.constant 0 : i32
          %eq3A_198 = arith.cmpi eq, %jit3A_196, %eq3A_197 : i32
          %jit3A_199 = arith.constant 1 : i32
          %select_n3A_200 = arith.select %eq3A_198, %jit3A_199, %jit3A_196 : i32
          %rem3A_201 = arith.remsi %add3A_155, %select_n3A_200 : i32
          %ne3A_202 = arith.constant 0 : i32
          %ne3A_203 = arith.cmpi ne, %rem3A_201, %ne3A_202 : i32
          %lt3A_204 = arith.constant 0 : i32
          %lt3A_205 = arith.cmpi slt, %rem3A_201, %lt3A_204 : i32
          %lt3A_206 = arith.constant 0 : i32
          %lt3A_207 = arith.cmpi slt, %select_n3A_200, %lt3A_206 : i32
          %ne3A_208 = arith.xori %lt3A_205, %lt3A_207 : i1
          %and3A_209 = arith.andi %ne3A_208, %ne3A_203 : i1
          %add3A_210 = arith.addi %rem3A_201, %select_n3A_200 : i32
          %select_n3A_211 = arith.select %and3A_209, %add3A_210, %rem3A_201 : i32
          %jit3A_212 = arith.constant 2 : i32
          %div3A = arith.divsi %add3A_155, %jit3A_212 : i32
          %sign3A = arith.constant 0 : i32
          %sign3A_213 = arith.cmpi sgt, %add3A_155, %sign3A : i32
          %sign3A_214 = arith.extui %sign3A_213 : i1 to i32
          %sign3A_215 = arith.constant 0 : i32
          %sign3A_216 = arith.cmpi slt, %add3A_155, %sign3A_215 : i32
          %sign3A_217 = arith.extui %sign3A_216 : i1 to i32
          %sign3A_218 = arith.subi %sign3A_214, %sign3A_217 : i32
          %sign3A_219 = arith.constant 0 : i32
          %sign3A_220 = arith.cmpi sgt, %jit3A_212, %sign3A_219 : i32
          %sign3A_221 = arith.extui %sign3A_220 : i1 to i32
          %sign3A_222 = arith.constant 0 : i32
          %sign3A_223 = arith.cmpi slt, %jit3A_212, %sign3A_222 : i32
          %sign3A_224 = arith.extui %sign3A_223 : i1 to i32
          %sign3A_225 = arith.subi %sign3A_221, %sign3A_224 : i32
          %ne3A_226 = arith.cmpi ne, %sign3A_218, %sign3A_225 : i32
          %rem3A_227 = arith.remsi %add3A_155, %jit3A_212 : i32
          %ne3A_228 = arith.constant 0 : i32
          %ne3A_229 = arith.cmpi ne, %rem3A_227, %ne3A_228 : i32
          %and3A_230 = arith.andi %ne3A_226, %ne3A_229 : i1
          %sub3A_231 = arith.constant 1 : i32
          %sub3A_232 = arith.subi %div3A, %sub3A_231 : i32
          %select_n3A_233 = arith.select %and3A_230, %sub3A_232, %div3A : i32
          %jit3A_234 = arith.constant 2 : i32
          %eq3A_235 = arith.constant 0 : i32
          %eq3A_236 = arith.cmpi eq, %jit3A_234, %eq3A_235 : i32
          %jit3A_237 = arith.constant 1 : i32
          %select_n3A_238 = arith.select %eq3A_236, %jit3A_237, %jit3A_234 : i32
          %rem3A_239 = arith.remsi %add3A_173, %select_n3A_238 : i32
          %ne3A_240 = arith.constant 0 : i32
          %ne3A_241 = arith.cmpi ne, %rem3A_239, %ne3A_240 : i32
          %lt3A_242 = arith.constant 0 : i32
          %lt3A_243 = arith.cmpi slt, %rem3A_239, %lt3A_242 : i32
          %lt3A_244 = arith.constant 0 : i32
          %lt3A_245 = arith.cmpi slt, %select_n3A_238, %lt3A_244 : i32
          %ne3A_246 = arith.xori %lt3A_243, %lt3A_245 : i1
          %and3A_247 = arith.andi %ne3A_246, %ne3A_241 : i1
          %add3A_248 = arith.addi %rem3A_239, %select_n3A_238 : i32
          %select_n3A_249 = arith.select %and3A_247, %add3A_248, %rem3A_239 : i32
          %jit3A_250 = arith.constant 2 : i32
          %div3A_251 = arith.divsi %add3A_173, %jit3A_250 : i32
          %sign3A_252 = arith.constant 0 : i32
          %sign3A_253 = arith.cmpi sgt, %add3A_173, %sign3A_252 : i32
          %sign3A_254 = arith.extui %sign3A_253 : i1 to i32
          %sign3A_255 = arith.constant 0 : i32
          %sign3A_256 = arith.cmpi slt, %add3A_173, %sign3A_255 : i32
          %sign3A_257 = arith.extui %sign3A_256 : i1 to i32
          %sign3A_258 = arith.subi %sign3A_254, %sign3A_257 : i32
          %sign3A_259 = arith.constant 0 : i32
          %sign3A_260 = arith.cmpi sgt, %jit3A_250, %sign3A_259 : i32
          %sign3A_261 = arith.extui %sign3A_260 : i1 to i32
          %sign3A_262 = arith.constant 0 : i32
          %sign3A_263 = arith.cmpi slt, %jit3A_250, %sign3A_262 : i32
          %sign3A_264 = arith.extui %sign3A_263 : i1 to i32
          %sign3A_265 = arith.subi %sign3A_261, %sign3A_264 : i32
          %ne3A_266 = arith.cmpi ne, %sign3A_258, %sign3A_265 : i32
          %rem3A_267 = arith.remsi %add3A_173, %jit3A_250 : i32
          %ne3A_268 = arith.constant 0 : i32
          %ne3A_269 = arith.cmpi ne, %rem3A_267, %ne3A_268 : i32
          %and3A_270 = arith.andi %ne3A_266, %ne3A_269 : i1
          %sub3A_271 = arith.constant 1 : i32
          %sub3A_272 = arith.subi %div3A_251, %sub3A_271 : i32
          %select_n3A_273 = arith.select %and3A_270, %sub3A_272, %div3A_251 : i32
          %ne3A_274 = arith.cmpi ne, %select_n3A_211, %select_n3A_249 : i32
          %ne3A_275 = arith.cmpi ne, %select_n3A_233, %select_n3A_273 : i32
          %or3A_276 = arith.constant false
          %or3A_277 = arith.ori %or3A_276, %ne3A_274 : i1
          %or3A_278 = arith.ori %or3A_277, %ne3A_275 : i1
          %sub3A_279 = arith.constant 2 : i32
          %sub3A_280 = arith.subi %mul3A_149, %sub3A_279 : i32
          %add3A_281 = arith.constant 1 : i32
          %add3A_282 = arith.addi %sub3A_280, %add3A_281 : i32
          %ge3A_283 = arith.cmpi sge, %while3A_142, %add3A_282 : i32
          %not3A_284 = arith.constant true
          %not3A_285 = arith.xori %ge3A_283, %not3A_284 : i1
          %and3A_286 = arith.andi %or3A_278, %not3A_285 : i1
          %ne3A_287 = arith.cmpi ne, %add3A_155, %add3A_165 : i32
          %or3A_288 = arith.constant false
          %or3A_289 = arith.ori %or3A_288, %ne3A_287 : i1
          %or3A_290 = arith.ori %or3A_289, %eq3A_151 : i1
          %convert_element_type3A_291 = arith.extui %or3A_290 : i1 to i32
          %cond3A_292 = arith.constant 0 : i32
          %cond3A_293 = arith.cmpi ne, %convert_element_type3A_291, %cond3A_292 : i32
          scf.if %cond3A_293 {
            "tpu.trace_start"() <{level = 10 : i32, message = "ep_wait_in"}> : () -> ()
            %mul3A_612 = arith.constant 128 : i32
            %mul3A_613 = arith.muli %mul3A_612, %add3A_155 : i32
            %rem3A_614 = arith.constant 2 : i32
            %rem3A_615 = arith.remui %while3A_144, %rem3A_614 : i32
            %dma_wait3A = arith.constant 0 : i32
            %dma_wait3A_616 = arith.constant 0 : i32
            %dma_wait3A_617 = tpu.memref_slice %run_scoped3A[%rem3A_615, %dma_wait3A, %dma_wait3A_616] : memref<2x1x128xi32, #tpu.memory_space<vmem>> -> memref<1x1x128xi32, #tpu.memory_space<vmem>>
            %dma_wait3A_618 = tpu.memref_squeeze %dma_wait3A_617 : memref<1x1x128xi32, #tpu.memory_space<vmem>> -> memref<1x128xi32, #tpu.memory_space<vmem>>
            %dma_wait3A_619 = arith.constant 0 : i32
            %dma_wait3A_620 = tpu.memref_slice %arg3[%dma_wait3A_619, %mul3A_613] : memref<1x2048xi32, #tpu.memory_space<hbm>> -> memref<1x128xi32, #tpu.memory_space<hbm>>
            %dma_wait3A_621 = tpu.memref_slice %run_scoped3A_17[%rem3A_615] : memref<2x!tpu.dma_semaphore, #tpu.memory_space<semaphore_mem>> -> memref<1x!tpu.dma_semaphore, #tpu.memory_space<semaphore_mem>>
            %dma_wait3A_622 = tpu.memref_squeeze %dma_wait3A_621 : memref<1x!tpu.dma_semaphore, #tpu.memory_space<semaphore_mem>> -> memref<!tpu.dma_semaphore, #tpu.memory_space<semaphore_mem>>
            %dma_wait3A_623 = arith.constant 0 : i32
            %dma_wait3A_624 = arith.constant 0 : i32
            %dma_wait3A_625 = tpu.memref_slice %run_scoped3A[%rem3A_615, %dma_wait3A_623, %dma_wait3A_624] : memref<2x1x128xi32, #tpu.memory_space<vmem>> -> memref<1x1x128xi32, #tpu.memory_space<vmem>>
            %dma_wait3A_626 = tpu.memref_squeeze %dma_wait3A_625 : memref<1x1x128xi32, #tpu.memory_space<vmem>> -> memref<1x128xi32, #tpu.memory_space<vmem>>
            %dma_wait3A_627 = arith.constant 0 : i32
            %dma_wait3A_628 = tpu.memref_slice %arg3[%dma_wait3A_627, %mul3A_613] : memref<1x2048xi32, #tpu.memory_space<hbm>> -> memref<1x128xi32, #tpu.memory_space<hbm>>
            tpu.wait_dma2 semaphore(%dma_wait3A_622 : memref<!tpu.dma_semaphore, #tpu.memory_space<semaphore_mem>>) src(%dma_wait3A_628 : memref<1x128xi32, #tpu.memory_space<hbm>>) dst(%dma_wait3A_626 : memref<1x128xi32, #tpu.memory_space<vmem>>)
            "tpu.trace_stop"() : () -> ()
          } else {
          }
          %jit3A_294 = arith.constant 2 : i32
          %eq3A_295 = arith.constant 0 : i32
          %eq3A_296 = arith.cmpi eq, %jit3A_294, %eq3A_295 : i32
          %jit3A_297 = arith.constant 1 : i32
          %select_n3A_298 = arith.select %eq3A_296, %jit3A_297, %jit3A_294 : i32
          %rem3A_299 = arith.remsi %add3A_155, %select_n3A_298 : i32
          %ne3A_300 = arith.constant 0 : i32
          %ne3A_301 = arith.cmpi ne, %rem3A_299, %ne3A_300 : i32
          %lt3A_302 = arith.constant 0 : i32
          %lt3A_303 = arith.cmpi slt, %rem3A_299, %lt3A_302 : i32
          %lt3A_304 = arith.constant 0 : i32
          %lt3A_305 = arith.cmpi slt, %select_n3A_298, %lt3A_304 : i32
          %ne3A_306 = arith.xori %lt3A_303, %lt3A_305 : i1
          %and3A_307 = arith.andi %ne3A_306, %ne3A_301 : i1
          %add3A_308 = arith.addi %rem3A_299, %select_n3A_298 : i32
          %select_n3A_309 = arith.select %and3A_307, %add3A_308, %rem3A_299 : i32
          %jit3A_310 = arith.constant 2 : i32
          %div3A_311 = arith.divsi %add3A_155, %jit3A_310 : i32
          %sign3A_312 = arith.constant 0 : i32
          %sign3A_313 = arith.cmpi sgt, %add3A_155, %sign3A_312 : i32
          %sign3A_314 = arith.extui %sign3A_313 : i1 to i32
          %sign3A_315 = arith.constant 0 : i32
          %sign3A_316 = arith.cmpi slt, %add3A_155, %sign3A_315 : i32
          %sign3A_317 = arith.extui %sign3A_316 : i1 to i32
          %sign3A_318 = arith.subi %sign3A_314, %sign3A_317 : i32
          %sign3A_319 = arith.constant 0 : i32
          %sign3A_320 = arith.cmpi sgt, %jit3A_310, %sign3A_319 : i32
          %sign3A_321 = arith.extui %sign3A_320 : i1 to i32
          %sign3A_322 = arith.constant 0 : i32
          %sign3A_323 = arith.cmpi slt, %jit3A_310, %sign3A_322 : i32
          %sign3A_324 = arith.extui %sign3A_323 : i1 to i32
          %sign3A_325 = arith.subi %sign3A_321, %sign3A_324 : i32
          %ne3A_326 = arith.cmpi ne, %sign3A_318, %sign3A_325 : i32
          %rem3A_327 = arith.remsi %add3A_155, %jit3A_310 : i32
          %ne3A_328 = arith.constant 0 : i32
          %ne3A_329 = arith.cmpi ne, %rem3A_327, %ne3A_328 : i32
          %and3A_330 = arith.andi %ne3A_326, %ne3A_329 : i1
          %sub3A_331 = arith.constant 1 : i32
          %sub3A_332 = arith.subi %div3A_311, %sub3A_331 : i32
          %select_n3A_333 = arith.select %and3A_330, %sub3A_332, %div3A_311 : i32
          %jit3A_334 = arith.constant 2 : i32
          %eq3A_335 = arith.constant 0 : i32
          %eq3A_336 = arith.cmpi eq, %jit3A_334, %eq3A_335 : i32
          %jit3A_337 = arith.constant 1 : i32
          %select_n3A_338 = arith.select %eq3A_336, %jit3A_337, %jit3A_334 : i32
          %rem3A_339 = arith.remsi %add3A_165, %select_n3A_338 : i32
          %ne3A_340 = arith.constant 0 : i32
          %ne3A_341 = arith.cmpi ne, %rem3A_339, %ne3A_340 : i32
          %lt3A_342 = arith.constant 0 : i32
          %lt3A_343 = arith.cmpi slt, %rem3A_339, %lt3A_342 : i32
          %lt3A_344 = arith.constant 0 : i32
          %lt3A_345 = arith.cmpi slt, %select_n3A_338, %lt3A_344 : i32
          %ne3A_346 = arith.xori %lt3A_343, %lt3A_345 : i1
          %and3A_347 = arith.andi %ne3A_346, %ne3A_341 : i1
          %add3A_348 = arith.addi %rem3A_339, %select_n3A_338 : i32
          %select_n3A_349 = arith.select %and3A_347, %add3A_348, %rem3A_339 : i32
          %jit3A_350 = arith.constant 2 : i32
          %div3A_351 = arith.divsi %add3A_165, %jit3A_350 : i32
          %sign3A_352 = arith.constant 0 : i32
          %sign3A_353 = arith.cmpi sgt, %add3A_165, %sign3A_352 : i32
          %sign3A_354 = arith.extui %sign3A_353 : i1 to i32
          %sign3A_355 = arith.constant 0 : i32
          %sign3A_356 = arith.cmpi slt, %add3A_165, %sign3A_355 : i32
          %sign3A_357 = arith.extui %sign3A_356 : i1 to i32
          %sign3A_358 = arith.subi %sign3A_354, %sign3A_357 : i32
          %sign3A_359 = arith.constant 0 : i32
          %sign3A_360 = arith.cmpi sgt, %jit3A_350, %sign3A_359 : i32
          %sign3A_361 = arith.extui %sign3A_360 : i1 to i32
          %sign3A_362 = arith.constant 0 : i32
          %sign3A_363 = arith.cmpi slt, %jit3A_350, %sign3A_362 : i32
          %sign3A_364 = arith.extui %sign3A_363 : i1 to i32
          %sign3A_365 = arith.subi %sign3A_361, %sign3A_364 : i32
          %ne3A_366 = arith.cmpi ne, %sign3A_358, %sign3A_365 : i32
          %rem3A_367 = arith.remsi %add3A_165, %jit3A_350 : i32
          %ne3A_368 = arith.constant 0 : i32
          %ne3A_369 = arith.cmpi ne, %rem3A_367, %ne3A_368 : i32
          %and3A_370 = arith.andi %ne3A_366, %ne3A_369 : i1
          %sub3A_371 = arith.constant 1 : i32
          %sub3A_372 = arith.subi %div3A_351, %sub3A_371 : i32
          %select_n3A_373 = arith.select %and3A_370, %sub3A_372, %div3A_351 : i32
          %ne3A_374 = arith.cmpi ne, %select_n3A_309, %select_n3A_349 : i32
          %ne3A_375 = arith.cmpi ne, %select_n3A_333, %select_n3A_373 : i32
          %or3A_376 = arith.constant false
          %or3A_377 = arith.ori %or3A_376, %ne3A_374 : i1
          %or3A_378 = arith.ori %or3A_377, %ne3A_375 : i1
          %or3A_379 = arith.ori %or3A_378, %eq3A_151 : i1
          %convert_element_type3A_380 = arith.extui %or3A_379 : i1 to i32
          %cond3A_381 = arith.constant 0 : i32
          %cond3A_382 = arith.cmpi ne, %convert_element_type3A_380, %cond3A_381 : i32
          scf.if %cond3A_382 {
          } else {
          }
          %rem3A_383 = arith.constant 2 : i32
          %rem3A_384 = arith.remui %while3A_144, %rem3A_383 : i32
          %rem3A_385 = arith.constant 2 : i32
          %rem3A_386 = arith.remui %while3A_145, %rem3A_385 : i32
          %run_scoped3A_387 = arith.constant 0 : i32
          "tpu.trace_start"() <{level = 10 : i32, message = "ep_run_kernel"}> : () -> ()
          "tpu.region"() ({
            %run_scoped3A_612 = tpu.sem_alloc : memref<!tpu.dma_semaphore, #tpu.memory_space<semaphore_mem>>
            %dma_start3A_613 = arith.constant 0 : i32
            %dma_start3A_614 = arith.constant 0 : i32
            %dma_start3A_615 = tpu.memref_slice %run_scoped3A_18[%rem3A_386, %dma_start3A_613, %dma_start3A_614] : memref<2x128x256xf32, #tpu.memory_space<vmem>> -> memref<1x128x256xf32, #tpu.memory_space<vmem>>
            %dma_start3A_616 = tpu.memref_squeeze %dma_start3A_615 : memref<1x128x256xf32, #tpu.memory_space<vmem>> -> memref<128x256xf32, #tpu.memory_space<vmem>>
            %dma_start3A_617 = arith.constant 0 : i32
            %dma_start3A_618 = arith.constant 0 : i32
            %dma_start3A_619 = tpu.memref_slice %run_scoped3A[%rem3A_384, %dma_start3A_617, %dma_start3A_618] : memref<2x1x128xi32, #tpu.memory_space<vmem>> -> memref<1x1x128xi32, #tpu.memory_space<vmem>>
            %dma_start3A_620 = tpu.memref_squeeze %dma_start3A_619 : memref<1x1x128xi32, #tpu.memory_space<vmem>> -> memref<1x128xi32, #tpu.memory_space<vmem>>
            %dma_start3A_621 = arith.constant 0 : i32
            %dma_start3A_622 = tpu.memref_slice %dma_start3A_620[%run_scoped3A_387, %dma_start3A_621] : memref<1x128xi32, #tpu.memory_space<vmem>> -> memref<1x128xi32, #tpu.memory_space<vmem>>
            %dma_start3A_623 = tpu.memref_squeeze %dma_start3A_622 : memref<1x128xi32, #tpu.memory_space<vmem>> -> memref<128xi32, #tpu.memory_space<vmem>>
            %dma_start3A_624 = arith.constant 0 : i32
            %dma_start3A_625 = arith.constant 0 : i32
            %dma_start3A_626 = tpu.memref_slice %arg2[%dma_start3A_624, %dma_start3A_625] : memref<65536x256xf32, #tpu.memory_space<hbm>> -> memref<65536x256xf32, #tpu.memory_space<hbm>>
            tpu.enqueue_indirect_dma source(%dma_start3A_626 : memref<65536x256xf32, #tpu.memory_space<hbm>>) target(%dma_start3A_616 : memref<128x256xf32, #tpu.memory_space<vmem>>) offsets(%dma_start3A_623 : memref<128xi32, #tpu.memory_space<vmem>>) semaphore(%run_scoped3A_612 : memref<!tpu.dma_semaphore, #tpu.memory_space<semaphore_mem>>)
            %dma_wait3A = arith.constant 0 : i32
            %dma_wait3A_627 = arith.constant 0 : i32
            %dma_wait3A_628 = tpu.memref_slice %run_scoped3A_18[%rem3A_386, %dma_wait3A, %dma_wait3A_627] : memref<2x128x256xf32, #tpu.memory_space<vmem>> -> memref<1x128x256xf32, #tpu.memory_space<vmem>>
            %dma_wait3A_629 = tpu.memref_squeeze %dma_wait3A_628 : memref<1x128x256xf32, #tpu.memory_space<vmem>> -> memref<128x256xf32, #tpu.memory_space<vmem>>
            %dma_wait3A_630 = arith.constant 0 : i32
            %dma_wait3A_631 = arith.constant 0 : i32
            %dma_wait3A_632 = tpu.memref_slice %run_scoped3A[%rem3A_384, %dma_wait3A_630, %dma_wait3A_631] : memref<2x1x128xi32, #tpu.memory_space<vmem>> -> memref<1x1x128xi32, #tpu.memory_space<vmem>>
            %dma_wait3A_633 = tpu.memref_squeeze %dma_wait3A_632 : memref<1x1x128xi32, #tpu.memory_space<vmem>> -> memref<1x128xi32, #tpu.memory_space<vmem>>
            %dma_wait3A_634 = arith.constant 0 : i32
            %dma_wait3A_635 = tpu.memref_slice %dma_wait3A_633[%run_scoped3A_387, %dma_wait3A_634] : memref<1x128xi32, #tpu.memory_space<vmem>> -> memref<1x128xi32, #tpu.memory_space<vmem>>
            %dma_wait3A_636 = tpu.memref_squeeze %dma_wait3A_635 : memref<1x128xi32, #tpu.memory_space<vmem>> -> memref<128xi32, #tpu.memory_space<vmem>>
            %dma_wait3A_637 = arith.constant 0 : i32
            %dma_wait3A_638 = arith.constant 0 : i32
            %dma_wait3A_639 = tpu.memref_slice %arg2[%dma_wait3A_637, %dma_wait3A_638] : memref<65536x256xf32, #tpu.memory_space<hbm>> -> memref<65536x256xf32, #tpu.memory_space<hbm>>
            tpu.wait_indirect_dma semaphore(%run_scoped3A_612 : memref<!tpu.dma_semaphore, #tpu.memory_space<semaphore_mem>>) src(%dma_wait3A_639 : memref<65536x256xf32, #tpu.memory_space<hbm>>) dst(%dma_wait3A_629 : memref<128x256xf32, #tpu.memory_space<vmem>>)
            tpu.yield
          }) : () -> ()
          "tpu.trace_stop"() : () -> ()
          %ne3A_388 = arith.cmpi ne, %add3A_155, %add3A_173 : i32
          %or3A_389 = arith.constant false
          %or3A_390 = arith.ori %or3A_389, %ne3A_388 : i1
          %or3A_391 = arith.ori %or3A_390, %eq3A_154 : i1
          %convert_element_type3A_392 = arith.extui %or3A_391 : i1 to i32
          %cond3A_393 = arith.constant 0 : i32
          %cond3A_394 = arith.cmpi ne, %convert_element_type3A_392, %cond3A_393 : i32
          scf.if %cond3A_394 {
          } else {
          }
          %and3A_395 = arith.constant false
          %and3A_396 = arith.andi %or3A_391, %and3A_395 : i1
          %jit3A_397 = arith.constant 2 : i32
          %eq3A_398 = arith.constant 0 : i32
          %eq3A_399 = arith.cmpi eq, %jit3A_397, %eq3A_398 : i32
          %jit3A_400 = arith.constant 1 : i32
          %select_n3A_401 = arith.select %eq3A_399, %jit3A_400, %jit3A_397 : i32
          %rem3A_402 = arith.remsi %add3A_155, %select_n3A_401 : i32
          %ne3A_403 = arith.constant 0 : i32
          %ne3A_404 = arith.cmpi ne, %rem3A_402, %ne3A_403 : i32
          %lt3A_405 = arith.constant 0 : i32
          %lt3A_406 = arith.cmpi slt, %rem3A_402, %lt3A_405 : i32
          %lt3A_407 = arith.constant 0 : i32
          %lt3A_408 = arith.cmpi slt, %select_n3A_401, %lt3A_407 : i32
          %ne3A_409 = arith.xori %lt3A_406, %lt3A_408 : i1
          %and3A_410 = arith.andi %ne3A_409, %ne3A_404 : i1
          %add3A_411 = arith.addi %rem3A_402, %select_n3A_401 : i32
          %select_n3A_412 = arith.select %and3A_410, %add3A_411, %rem3A_402 : i32
          %jit3A_413 = arith.constant 2 : i32
          %div3A_414 = arith.divsi %add3A_155, %jit3A_413 : i32
          %sign3A_415 = arith.constant 0 : i32
          %sign3A_416 = arith.cmpi sgt, %add3A_155, %sign3A_415 : i32
          %sign3A_417 = arith.extui %sign3A_416 : i1 to i32
          %sign3A_418 = arith.constant 0 : i32
          %sign3A_419 = arith.cmpi slt, %add3A_155, %sign3A_418 : i32
          %sign3A_420 = arith.extui %sign3A_419 : i1 to i32
          %sign3A_421 = arith.subi %sign3A_417, %sign3A_420 : i32
          %sign3A_422 = arith.constant 0 : i32
          %sign3A_423 = arith.cmpi sgt, %jit3A_413, %sign3A_422 : i32
          %sign3A_424 = arith.extui %sign3A_423 : i1 to i32
          %sign3A_425 = arith.constant 0 : i32
          %sign3A_426 = arith.cmpi slt, %jit3A_413, %sign3A_425 : i32
          %sign3A_427 = arith.extui %sign3A_426 : i1 to i32
          %sign3A_428 = arith.subi %sign3A_424, %sign3A_427 : i32
          %ne3A_429 = arith.cmpi ne, %sign3A_421, %sign3A_428 : i32
          %rem3A_430 = arith.remsi %add3A_155, %jit3A_413 : i32
          %ne3A_431 = arith.constant 0 : i32
          %ne3A_432 = arith.cmpi ne, %rem3A_430, %ne3A_431 : i32
          %and3A_433 = arith.andi %ne3A_429, %ne3A_432 : i1
          %sub3A_434 = arith.constant 1 : i32
          %sub3A_435 = arith.subi %div3A_414, %sub3A_434 : i32
          %select_n3A_436 = arith.select %and3A_433, %sub3A_435, %div3A_414 : i32
          %jit3A_437 = arith.constant 2 : i32
          %eq3A_438 = arith.constant 0 : i32
          %eq3A_439 = arith.cmpi eq, %jit3A_437, %eq3A_438 : i32
          %jit3A_440 = arith.constant 1 : i32
          %select_n3A_441 = arith.select %eq3A_439, %jit3A_440, %jit3A_437 : i32
          %rem3A_442 = arith.remsi %add3A_173, %select_n3A_441 : i32
          %ne3A_443 = arith.constant 0 : i32
          %ne3A_444 = arith.cmpi ne, %rem3A_442, %ne3A_443 : i32
          %lt3A_445 = arith.constant 0 : i32
          %lt3A_446 = arith.cmpi slt, %rem3A_442, %lt3A_445 : i32
          %lt3A_447 = arith.constant 0 : i32
          %lt3A_448 = arith.cmpi slt, %select_n3A_441, %lt3A_447 : i32
          %ne3A_449 = arith.xori %lt3A_446, %lt3A_448 : i1
          %and3A_450 = arith.andi %ne3A_449, %ne3A_444 : i1
          %add3A_451 = arith.addi %rem3A_442, %select_n3A_441 : i32
          %select_n3A_452 = arith.select %and3A_450, %add3A_451, %rem3A_442 : i32
          %jit3A_453 = arith.constant 2 : i32
          %div3A_454 = arith.divsi %add3A_173, %jit3A_453 : i32
          %sign3A_455 = arith.constant 0 : i32
          %sign3A_456 = arith.cmpi sgt, %add3A_173, %sign3A_455 : i32
          %sign3A_457 = arith.extui %sign3A_456 : i1 to i32
          %sign3A_458 = arith.constant 0 : i32
          %sign3A_459 = arith.cmpi slt, %add3A_173, %sign3A_458 : i32
          %sign3A_460 = arith.extui %sign3A_459 : i1 to i32
          %sign3A_461 = arith.subi %sign3A_457, %sign3A_460 : i32
          %sign3A_462 = arith.constant 0 : i32
          %sign3A_463 = arith.cmpi sgt, %jit3A_453, %sign3A_462 : i32
          %sign3A_464 = arith.extui %sign3A_463 : i1 to i32
          %sign3A_465 = arith.constant 0 : i32
          %sign3A_466 = arith.cmpi slt, %jit3A_453, %sign3A_465 : i32
          %sign3A_467 = arith.extui %sign3A_466 : i1 to i32
          %sign3A_468 = arith.subi %sign3A_464, %sign3A_467 : i32
          %ne3A_469 = arith.cmpi ne, %sign3A_461, %sign3A_468 : i32
          %rem3A_470 = arith.remsi %add3A_173, %jit3A_453 : i32
          %ne3A_471 = arith.constant 0 : i32
          %ne3A_472 = arith.cmpi ne, %rem3A_470, %ne3A_471 : i32
          %and3A_473 = arith.andi %ne3A_469, %ne3A_472 : i1
          %sub3A_474 = arith.constant 1 : i32
          %sub3A_475 = arith.subi %div3A_454, %sub3A_474 : i32
          %select_n3A_476 = arith.select %and3A_473, %sub3A_475, %div3A_454 : i32
          %ne3A_477 = arith.cmpi ne, %select_n3A_412, %select_n3A_452 : i32
          %ne3A_478 = arith.cmpi ne, %select_n3A_436, %select_n3A_476 : i32
          %or3A_479 = arith.constant false
          %or3A_480 = arith.ori %or3A_479, %ne3A_477 : i1
          %or3A_481 = arith.ori %or3A_480, %ne3A_478 : i1
          %or3A_482 = arith.ori %or3A_481, %eq3A_154 : i1
          %convert_element_type3A_483 = arith.extui %or3A_482 : i1 to i32
          %cond3A_484 = arith.constant 0 : i32
          %cond3A_485 = arith.cmpi ne, %convert_element_type3A_483, %cond3A_484 : i32
          scf.if %cond3A_485 {
            "tpu.trace_start"() <{level = 10 : i32, message = "ep_copy_out"}> : () -> ()
            %rem3A_612 = arith.constant 2 : i32
            %rem3A_613 = arith.remui %while3A_145, %rem3A_612 : i32
            %jit3A_614 = arith.constant 2 : i32
            %eq3A_615 = arith.constant 0 : i32
            %eq3A_616 = arith.cmpi eq, %jit3A_614, %eq3A_615 : i32
            %jit3A_617 = arith.constant 1 : i32
            %select_n3A_618 = arith.select %eq3A_616, %jit3A_617, %jit3A_614 : i32
            %rem3A_619 = arith.remsi %add3A_155, %select_n3A_618 : i32
            %ne3A_620 = arith.constant 0 : i32
            %ne3A_621 = arith.cmpi ne, %rem3A_619, %ne3A_620 : i32
            %lt3A_622 = arith.constant 0 : i32
            %lt3A_623 = arith.cmpi slt, %rem3A_619, %lt3A_622 : i32
            %lt3A_624 = arith.constant 0 : i32
            %lt3A_625 = arith.cmpi slt, %select_n3A_618, %lt3A_624 : i32
            %ne3A_626 = arith.xori %lt3A_623, %lt3A_625 : i1
            %and3A_627 = arith.andi %ne3A_626, %ne3A_621 : i1
            %add3A_628 = arith.addi %rem3A_619, %select_n3A_618 : i32
            %select_n3A_629 = arith.select %and3A_627, %add3A_628, %rem3A_619 : i32
            %jit3A_630 = arith.constant 2 : i32
            %div3A_631 = arith.divsi %add3A_155, %jit3A_630 : i32
            %sign3A_632 = arith.constant 0 : i32
            %sign3A_633 = arith.cmpi sgt, %add3A_155, %sign3A_632 : i32
            %sign3A_634 = arith.extui %sign3A_633 : i1 to i32
            %sign3A_635 = arith.constant 0 : i32
            %sign3A_636 = arith.cmpi slt, %add3A_155, %sign3A_635 : i32
            %sign3A_637 = arith.extui %sign3A_636 : i1 to i32
            %sign3A_638 = arith.subi %sign3A_634, %sign3A_637 : i32
            %sign3A_639 = arith.constant 0 : i32
            %sign3A_640 = arith.cmpi sgt, %jit3A_630, %sign3A_639 : i32
            %sign3A_641 = arith.extui %sign3A_640 : i1 to i32
            %sign3A_642 = arith.constant 0 : i32
            %sign3A_643 = arith.cmpi slt, %jit3A_630, %sign3A_642 : i32
            %sign3A_644 = arith.extui %sign3A_643 : i1 to i32
            %sign3A_645 = arith.subi %sign3A_641, %sign3A_644 : i32
            %ne3A_646 = arith.cmpi ne, %sign3A_638, %sign3A_645 : i32
            %rem3A_647 = arith.remsi %add3A_155, %jit3A_630 : i32
            %ne3A_648 = arith.constant 0 : i32
            %ne3A_649 = arith.cmpi ne, %rem3A_647, %ne3A_648 : i32
            %and3A_650 = arith.andi %ne3A_646, %ne3A_649 : i1
            %sub3A_651 = arith.constant 1 : i32
            %sub3A_652 = arith.subi %div3A_631, %sub3A_651 : i32
            %select_n3A_653 = arith.select %and3A_650, %sub3A_652, %div3A_631 : i32
            %mul3A_654 = arith.constant 128 : i32
            %mul3A_655 = arith.muli %mul3A_654, %select_n3A_629 : i32
            %mul3A_656 = arith.constant 256 : i32
            %mul3A_657 = arith.muli %mul3A_656, %select_n3A_653 : i32
            %dma_start3A_658 = arith.constant 0 : i32
            %dma_start3A_659 = arith.constant 0 : i32
            %dma_start3A_660 = tpu.memref_slice %run_scoped3A_18[%rem3A_613, %dma_start3A_658, %dma_start3A_659] : memref<2x128x256xf32, #tpu.memory_space<vmem>> -> memref<1x128x256xf32, #tpu.memory_space<vmem>>
            %dma_start3A_661 = tpu.memref_squeeze %dma_start3A_660 : memref<1x128x256xf32, #tpu.memory_space<vmem>> -> memref<128x256xf32, #tpu.memory_space<vmem>>
            %dma_start3A_662 = tpu.memref_slice %arg4[%mul3A_655, %mul3A_657] : memref<256x2048xf32, #tpu.memory_space<hbm>> -> memref<128x256xf32, #tpu.memory_space<hbm>>
            %dma_start3A_663 = tpu.memref_slice %run_scoped3A_19[%rem3A_613] : memref<2x!tpu.dma_semaphore, #tpu.memory_space<semaphore_mem>> -> memref<1x!tpu.dma_semaphore, #tpu.memory_space<semaphore_mem>>
            %dma_start3A_664 = tpu.memref_squeeze %dma_start3A_663 : memref<1x!tpu.dma_semaphore, #tpu.memory_space<semaphore_mem>> -> memref<!tpu.dma_semaphore, #tpu.memory_space<semaphore_mem>>
            %dma_start3A_665 = tpu.memref_slice %arg4[%mul3A_655, %mul3A_657] : memref<256x2048xf32, #tpu.memory_space<hbm>> -> memref<128x256xf32, #tpu.memory_space<hbm>>
            %dma_start3A_666 = arith.constant 0 : i32
            %dma_start3A_667 = arith.constant 0 : i32
            %dma_start3A_668 = tpu.memref_slice %run_scoped3A_18[%rem3A_613, %dma_start3A_666, %dma_start3A_667] : memref<2x128x256xf32, #tpu.memory_space<vmem>> -> memref<1x128x256xf32, #tpu.memory_space<vmem>>
            %dma_start3A_669 = tpu.memref_squeeze %dma_start3A_668 : memref<1x128x256xf32, #tpu.memory_space<vmem>> -> memref<128x256xf32, #tpu.memory_space<vmem>>
            tpu.enqueue_dma source(%dma_start3A_669 : memref<128x256xf32, #tpu.memory_space<vmem>>) target(%dma_start3A_665 : memref<128x256xf32, #tpu.memory_space<hbm>>) target_semaphore(%dma_start3A_664 : memref<!tpu.dma_semaphore, #tpu.memory_space<semaphore_mem>>)
            "tpu.trace_stop"() : () -> ()
          } else {
          }
          %and3A_486 = arith.constant true
          %and3A_487 = arith.andi %or3A_482, %and3A_486 : i1
          %add3A_488 = arith.constant 1 : i32
          %add3A_489 = arith.addi %while3A_145, %add3A_488 : i32
          %select_n3A_490 = arith.select %and3A_487, %add3A_489, %while3A_145 : i32
          %ne3A_491 = arith.cmpi ne, %add3A_155, %add3A_165 : i32
          %or3A_492 = arith.constant false
          %or3A_493 = arith.ori %or3A_492, %ne3A_491 : i1
          %not3A_494 = arith.constant true
          %not3A_495 = arith.xori %eq3A_151, %not3A_494 : i1
          %and3A_496 = arith.andi %or3A_493, %not3A_495 : i1
          %convert_element_type3A_497 = arith.extui %and3A_496 : i1 to i32
          %cond3A_498 = arith.constant 0 : i32
          %cond3A_499 = arith.cmpi ne, %convert_element_type3A_497, %cond3A_498 : i32
          scf.if %cond3A_499 {
          } else {
          }
          %and3A_500 = arith.constant false
          %and3A_501 = arith.andi %and3A_496, %and3A_500 : i1
          %jit3A_502 = arith.constant 2 : i32
          %eq3A_503 = arith.constant 0 : i32
          %eq3A_504 = arith.cmpi eq, %jit3A_502, %eq3A_503 : i32
          %jit3A_505 = arith.constant 1 : i32
          %select_n3A_506 = arith.select %eq3A_504, %jit3A_505, %jit3A_502 : i32
          %rem3A_507 = arith.remsi %add3A_155, %select_n3A_506 : i32
          %ne3A_508 = arith.constant 0 : i32
          %ne3A_509 = arith.cmpi ne, %rem3A_507, %ne3A_508 : i32
          %lt3A_510 = arith.constant 0 : i32
          %lt3A_511 = arith.cmpi slt, %rem3A_507, %lt3A_510 : i32
          %lt3A_512 = arith.constant 0 : i32
          %lt3A_513 = arith.cmpi slt, %select_n3A_506, %lt3A_512 : i32
          %ne3A_514 = arith.xori %lt3A_511, %lt3A_513 : i1
          %and3A_515 = arith.andi %ne3A_514, %ne3A_509 : i1
          %add3A_516 = arith.addi %rem3A_507, %select_n3A_506 : i32
          %select_n3A_517 = arith.select %and3A_515, %add3A_516, %rem3A_507 : i32
          %jit3A_518 = arith.constant 2 : i32
          %div3A_519 = arith.divsi %add3A_155, %jit3A_518 : i32
          %sign3A_520 = arith.constant 0 : i32
          %sign3A_521 = arith.cmpi sgt, %add3A_155, %sign3A_520 : i32
          %sign3A_522 = arith.extui %sign3A_521 : i1 to i32
          %sign3A_523 = arith.constant 0 : i32
          %sign3A_524 = arith.cmpi slt, %add3A_155, %sign3A_523 : i32
          %sign3A_525 = arith.extui %sign3A_524 : i1 to i32
          %sign3A_526 = arith.subi %sign3A_522, %sign3A_525 : i32
          %sign3A_527 = arith.constant 0 : i32
          %sign3A_528 = arith.cmpi sgt, %jit3A_518, %sign3A_527 : i32
          %sign3A_529 = arith.extui %sign3A_528 : i1 to i32
          %sign3A_530 = arith.constant 0 : i32
          %sign3A_531 = arith.cmpi slt, %jit3A_518, %sign3A_530 : i32
          %sign3A_532 = arith.extui %sign3A_531 : i1 to i32
          %sign3A_533 = arith.subi %sign3A_529, %sign3A_532 : i32
          %ne3A_534 = arith.cmpi ne, %sign3A_526, %sign3A_533 : i32
          %rem3A_535 = arith.remsi %add3A_155, %jit3A_518 : i32
          %ne3A_536 = arith.constant 0 : i32
          %ne3A_537 = arith.cmpi ne, %rem3A_535, %ne3A_536 : i32
          %and3A_538 = arith.andi %ne3A_534, %ne3A_537 : i1
          %sub3A_539 = arith.constant 1 : i32
          %sub3A_540 = arith.subi %div3A_519, %sub3A_539 : i32
          %select_n3A_541 = arith.select %and3A_538, %sub3A_540, %div3A_519 : i32
          %jit3A_542 = arith.constant 2 : i32
          %eq3A_543 = arith.constant 0 : i32
          %eq3A_544 = arith.cmpi eq, %jit3A_542, %eq3A_543 : i32
          %jit3A_545 = arith.constant 1 : i32
          %select_n3A_546 = arith.select %eq3A_544, %jit3A_545, %jit3A_542 : i32
          %rem3A_547 = arith.remsi %add3A_165, %select_n3A_546 : i32
          %ne3A_548 = arith.constant 0 : i32
          %ne3A_549 = arith.cmpi ne, %rem3A_547, %ne3A_548 : i32
          %lt3A_550 = arith.constant 0 : i32
          %lt3A_551 = arith.cmpi slt, %rem3A_547, %lt3A_550 : i32
          %lt3A_552 = arith.constant 0 : i32
          %lt3A_553 = arith.cmpi slt, %select_n3A_546, %lt3A_552 : i32
          %ne3A_554 = arith.xori %lt3A_551, %lt3A_553 : i1
          %and3A_555 = arith.andi %ne3A_554, %ne3A_549 : i1
          %add3A_556 = arith.addi %rem3A_547, %select_n3A_546 : i32
          %select_n3A_557 = arith.select %and3A_555, %add3A_556, %rem3A_547 : i32
          %jit3A_558 = arith.constant 2 : i32
          %div3A_559 = arith.divsi %add3A_165, %jit3A_558 : i32
          %sign3A_560 = arith.constant 0 : i32
          %sign3A_561 = arith.cmpi sgt, %add3A_165, %sign3A_560 : i32
          %sign3A_562 = arith.extui %sign3A_561 : i1 to i32
          %sign3A_563 = arith.constant 0 : i32
          %sign3A_564 = arith.cmpi slt, %add3A_165, %sign3A_563 : i32
          %sign3A_565 = arith.extui %sign3A_564 : i1 to i32
          %sign3A_566 = arith.subi %sign3A_562, %sign3A_565 : i32
          %sign3A_567 = arith.constant 0 : i32
          %sign3A_568 = arith.cmpi sgt, %jit3A_558, %sign3A_567 : i32
          %sign3A_569 = arith.extui %sign3A_568 : i1 to i32
          %sign3A_570 = arith.constant 0 : i32
          %sign3A_571 = arith.cmpi slt, %jit3A_558, %sign3A_570 : i32
          %sign3A_572 = arith.extui %sign3A_571 : i1 to i32
          %sign3A_573 = arith.subi %sign3A_569, %sign3A_572 : i32
          %ne3A_574 = arith.cmpi ne, %sign3A_566, %sign3A_573 : i32
          %rem3A_575 = arith.remsi %add3A_165, %jit3A_558 : i32
          %ne3A_576 = arith.constant 0 : i32
          %ne3A_577 = arith.cmpi ne, %rem3A_575, %ne3A_576 : i32
          %and3A_578 = arith.andi %ne3A_574, %ne3A_577 : i1
          %sub3A_579 = arith.constant 1 : i32
          %sub3A_580 = arith.subi %div3A_559, %sub3A_579 : i32
          %select_n3A_581 = arith.select %and3A_578, %sub3A_580, %div3A_559 : i32
          %ne3A_582 = arith.cmpi ne, %select_n3A_517, %select_n3A_557 : i32
          %ne3A_583 = arith.cmpi ne, %select_n3A_541, %select_n3A_581 : i32
          %or3A_584 = arith.constant false
          %or3A_585 = arith.ori %or3A_584, %ne3A_582 : i1
          %or3A_586 = arith.ori %or3A_585, %ne3A_583 : i1
          %not3A_587 = arith.constant true
          %not3A_588 = arith.xori %eq3A_151, %not3A_587 : i1
          %and3A_589 = arith.andi %or3A_586, %not3A_588 : i1
          %convert_element_type3A_590 = arith.extui %and3A_589 : i1 to i32
          %cond3A_591 = arith.constant 0 : i32
          %cond3A_592 = arith.cmpi ne, %convert_element_type3A_590, %cond3A_591 : i32
          scf.if %cond3A_592 {
            "tpu.trace_start"() <{level = 10 : i32, message = "ep_wait_out"}> : () -> ()
            %rem3A_612 = arith.constant 2 : i32
            %rem3A_613 = arith.remui %while3A_146, %rem3A_612 : i32
            %jit3A_614 = arith.constant 2 : i32
            %eq3A_615 = arith.constant 0 : i32
            %eq3A_616 = arith.cmpi eq, %jit3A_614, %eq3A_615 : i32
            %jit3A_617 = arith.constant 1 : i32
            %select_n3A_618 = arith.select %eq3A_616, %jit3A_617, %jit3A_614 : i32
            %rem3A_619 = arith.remsi %add3A_165, %select_n3A_618 : i32
            %ne3A_620 = arith.constant 0 : i32
            %ne3A_621 = arith.cmpi ne, %rem3A_619, %ne3A_620 : i32
            %lt3A_622 = arith.constant 0 : i32
            %lt3A_623 = arith.cmpi slt, %rem3A_619, %lt3A_622 : i32
            %lt3A_624 = arith.constant 0 : i32
            %lt3A_625 = arith.cmpi slt, %select_n3A_618, %lt3A_624 : i32
            %ne3A_626 = arith.xori %lt3A_623, %lt3A_625 : i1
            %and3A_627 = arith.andi %ne3A_626, %ne3A_621 : i1
            %add3A_628 = arith.addi %rem3A_619, %select_n3A_618 : i32
            %select_n3A_629 = arith.select %and3A_627, %add3A_628, %rem3A_619 : i32
            %jit3A_630 = arith.constant 2 : i32
            %div3A_631 = arith.divsi %add3A_165, %jit3A_630 : i32
            %sign3A_632 = arith.constant 0 : i32
            %sign3A_633 = arith.cmpi sgt, %add3A_165, %sign3A_632 : i32
            %sign3A_634 = arith.extui %sign3A_633 : i1 to i32
            %sign3A_635 = arith.constant 0 : i32
            %sign3A_636 = arith.cmpi slt, %add3A_165, %sign3A_635 : i32
            %sign3A_637 = arith.extui %sign3A_636 : i1 to i32
            %sign3A_638 = arith.subi %sign3A_634, %sign3A_637 : i32
            %sign3A_639 = arith.constant 0 : i32
            %sign3A_640 = arith.cmpi sgt, %jit3A_630, %sign3A_639 : i32
            %sign3A_641 = arith.extui %sign3A_640 : i1 to i32
            %sign3A_642 = arith.constant 0 : i32
            %sign3A_643 = arith.cmpi slt, %jit3A_630, %sign3A_642 : i32
            %sign3A_644 = arith.extui %sign3A_643 : i1 to i32
            %sign3A_645 = arith.subi %sign3A_641, %sign3A_644 : i32
            %ne3A_646 = arith.cmpi ne, %sign3A_638, %sign3A_645 : i32
            %rem3A_647 = arith.remsi %add3A_165, %jit3A_630 : i32
            %ne3A_648 = arith.constant 0 : i32
            %ne3A_649 = arith.cmpi ne, %rem3A_647, %ne3A_648 : i32
            %and3A_650 = arith.andi %ne3A_646, %ne3A_649 : i1
            %sub3A_651 = arith.constant 1 : i32
            %sub3A_652 = arith.subi %div3A_631, %sub3A_651 : i32
            %select_n3A_653 = arith.select %and3A_650, %sub3A_652, %div3A_631 : i32
            %mul3A_654 = arith.constant 128 : i32
            %mul3A_655 = arith.muli %mul3A_654, %select_n3A_629 : i32
            %mul3A_656 = arith.constant 256 : i32
            %mul3A_657 = arith.muli %mul3A_656, %select_n3A_653 : i32
            %dma_wait3A = arith.constant 0 : i32
            %dma_wait3A_658 = arith.constant 0 : i32
            %dma_wait3A_659 = tpu.memref_slice %run_scoped3A_18[%rem3A_613, %dma_wait3A, %dma_wait3A_658] : memref<2x128x256xf32, #tpu.memory_space<vmem>> -> memref<1x128x256xf32, #tpu.memory_space<vmem>>
            %dma_wait3A_660 = tpu.memref_squeeze %dma_wait3A_659 : memref<1x128x256xf32, #tpu.memory_space<vmem>> -> memref<128x256xf32, #tpu.memory_space<vmem>>
            %dma_wait3A_661 = tpu.memref_slice %arg4[%mul3A_655, %mul3A_657] : memref<256x2048xf32, #tpu.memory_space<hbm>> -> memref<128x256xf32, #tpu.memory_space<hbm>>
            %dma_wait3A_662 = tpu.memref_slice %run_scoped3A_19[%rem3A_613] : memref<2x!tpu.dma_semaphore, #tpu.memory_space<semaphore_mem>> -> memref<1x!tpu.dma_semaphore, #tpu.memory_space<semaphore_mem>>
            %dma_wait3A_663 = tpu.memref_squeeze %dma_wait3A_662 : memref<1x!tpu.dma_semaphore, #tpu.memory_space<semaphore_mem>> -> memref<!tpu.dma_semaphore, #tpu.memory_space<semaphore_mem>>
            %dma_wait3A_664 = tpu.memref_slice %arg4[%mul3A_655, %mul3A_657] : memref<256x2048xf32, #tpu.memory_space<hbm>> -> memref<128x256xf32, #tpu.memory_space<hbm>>
            %dma_wait3A_665 = arith.constant 0 : i32
            %dma_wait3A_666 = arith.constant 0 : i32
            %dma_wait3A_667 = tpu.memref_slice %run_scoped3A_18[%rem3A_613, %dma_wait3A_665, %dma_wait3A_666] : memref<2x128x256xf32, #tpu.memory_space<vmem>> -> memref<1x128x256xf32, #tpu.memory_space<vmem>>
            %dma_wait3A_668 = tpu.memref_squeeze %dma_wait3A_667 : memref<1x128x256xf32, #tpu.memory_space<vmem>> -> memref<128x256xf32, #tpu.memory_space<vmem>>
            tpu.wait_dma2 semaphore(%dma_wait3A_663 : memref<!tpu.dma_semaphore, #tpu.memory_space<semaphore_mem>>) src(%dma_wait3A_668 : memref<128x256xf32, #tpu.memory_space<vmem>>) dst(%dma_wait3A_664 : memref<128x256xf32, #tpu.memory_space<hbm>>)
            "tpu.trace_stop"() : () -> ()
          } else {
          }
          %and3A_593 = arith.constant true
          %and3A_594 = arith.andi %and3A_589, %and3A_593 : i1
          %add3A_595 = arith.constant 1 : i32
          %add3A_596 = arith.addi %while3A_146, %add3A_595 : i32
          %select_n3A_597 = arith.select %and3A_594, %add3A_596, %while3A_146 : i32
          %ne3A_598 = arith.cmpi ne, %add3A_155, %add3A_173 : i32
          %or3A_599 = arith.constant false
          %or3A_600 = arith.ori %or3A_599, %ne3A_598 : i1
          %or3A_601 = arith.ori %or3A_600, %eq3A_154 : i1
          %add3A_602 = arith.constant 1 : i32
          %add3A_603 = arith.addi %while3A_144, %add3A_602 : i32
          %select_n3A_604 = arith.select %or3A_601, %add3A_603, %while3A_144 : i32
          %add3A_605 = arith.constant 1 : i32
          %add3A_606 = arith.addi %while3A_147, %add3A_605 : i32
          %select_n3A_607 = arith.constant true
          %select_n3A_608 = arith.select %select_n3A_607, %add3A_606, %while3A_147 : i32
          %eq3A_609 = arith.cmpi eq, %select_n3A_608, %select_n3A : i32
          %select_n3A_610 = arith.constant 0 : i32
          %select_n3A_611 = arith.select %eq3A_609, %select_n3A_610, %select_n3A_608 : i32
          scf.yield %select_n3A_195, %select_n3A_604, %select_n3A_490, %select_n3A_597, %select_n3A_611 : i32, i32, i32, i32, i32
        }
        %sub3A_91 = arith.constant 1 : i32
        %sub3A_92 = arith.subi %while3A_90#4, %sub3A_91 : i32
        %select_n3A_93 = arith.constant true
        %select_n3A_94 = arith.select %select_n3A_93, %sub3A_92, %while3A_90#4 : i32
        %eq3A_95 = arith.constant -1 : i32
        %eq3A_96 = arith.cmpi eq, %select_n3A_94, %eq3A_95 : i32
        %sub3A_97 = arith.constant 1 : i32
        %sub3A_98 = arith.subi %select_n3A, %sub3A_97 : i32
        %select_n3A_99 = arith.select %eq3A_96, %sub3A_98, %select_n3A_94 : i32
        %sub3A_100 = arith.constant 1 : i32
        %sub3A_101 = arith.subi %mul3A_16, %sub3A_100 : i32
        %mul3A_102 = arith.constant 1 : i32
        %mul3A_103 = arith.muli %mul3A_102, %select_n3A : i32
        %eq3A_104 = arith.constant 0 : i32
        %eq3A_105 = arith.cmpi eq, %sub3A_101, %eq3A_104 : i32
        %sub3A_106 = arith.constant 1 : i32
        %sub3A_107 = arith.subi %mul3A_103, %sub3A_106 : i32
        %eq3A_108 = arith.cmpi eq, %sub3A_101, %sub3A_107 : i32
        %add3A_109 = arith.addi %select_n3A_99, %select_n3A_14 : i32
        %sub3A_110 = arith.constant 1 : i32
        %sub3A_111 = arith.subi %select_n3A_99, %sub3A_110 : i32
        %select_n3A_112 = arith.constant true
        %select_n3A_113 = arith.select %select_n3A_112, %sub3A_111, %select_n3A_99 : i32
        %eq3A_114 = arith.constant -1 : i32
        %eq3A_115 = arith.cmpi eq, %select_n3A_113, %eq3A_114 : i32
        %sub3A_116 = arith.constant 1 : i32
        %sub3A_117 = arith.subi %select_n3A, %sub3A_116 : i32
        %select_n3A_118 = arith.select %eq3A_115, %sub3A_117, %select_n3A_113 : i32
        %add3A_119 = arith.addi %select_n3A_118, %select_n3A_14 : i32
        %add3A_120 = arith.constant 1 : i32
        %add3A_121 = arith.addi %select_n3A_99, %add3A_120 : i32
        %select_n3A_122 = arith.constant true
        %select_n3A_123 = arith.select %select_n3A_122, %add3A_121, %select_n3A_99 : i32
        %eq3A_124 = arith.cmpi eq, %select_n3A_123, %select_n3A : i32
        %select_n3A_125 = arith.constant 0 : i32
        %select_n3A_126 = arith.select %eq3A_124, %select_n3A_125, %select_n3A_123 : i32
        %add3A_127 = arith.addi %select_n3A_126, %select_n3A_14 : i32
        %add3A_128 = arith.constant 1 : i32
        %add3A_129 = arith.addi %select_n3A_126, %add3A_128 : i32
        %select_n3A_130 = arith.constant true
        %select_n3A_131 = arith.select %select_n3A_130, %add3A_129, %select_n3A_126 : i32
        %eq3A_132 = arith.cmpi eq, %select_n3A_131, %select_n3A : i32
        %select_n3A_133 = arith.constant 0 : i32
        %select_n3A_134 = arith.select %eq3A_132, %select_n3A_133, %select_n3A_131 : i32
        %add3A_135 = arith.addi %select_n3A_134, %select_n3A_14 : i32
        %convert_element_type3A_136 = arith.extui %eq3A_108 : i1 to i32
        %cond3A_137 = arith.constant 0 : i32
        %cond3A_138 = arith.cmpi ne, %convert_element_type3A_136, %cond3A_137 : i32
        scf.if %cond3A_138 {
        } else {
        }
        %convert_element_type3A_139 = arith.extui %eq3A_108 : i1 to i32
        %cond3A_140 = arith.constant 0 : i32
        %cond3A_141 = arith.cmpi ne, %convert_element_type3A_139, %cond3A_140 : i32
        scf.if %cond3A_141 {
          "tpu.trace_start"() <{level = 10 : i32, message = "ep_finalize"}> : () -> ()
          %rem3A_142 = arith.constant 2 : i32
          %rem3A_143 = arith.remui %while3A_90#3, %rem3A_142 : i32
          %jit3A_144 = arith.constant 2 : i32
          %eq3A_145 = arith.constant 0 : i32
          %eq3A_146 = arith.cmpi eq, %jit3A_144, %eq3A_145 : i32
          %jit3A_147 = arith.constant 1 : i32
          %select_n3A_148 = arith.select %eq3A_146, %jit3A_147, %jit3A_144 : i32
          %rem3A_149 = arith.remsi %add3A_109, %select_n3A_148 : i32
          %ne3A = arith.constant 0 : i32
          %ne3A_150 = arith.cmpi ne, %rem3A_149, %ne3A : i32
          %lt3A_151 = arith.constant 0 : i32
          %lt3A_152 = arith.cmpi slt, %rem3A_149, %lt3A_151 : i32
          %lt3A_153 = arith.constant 0 : i32
          %lt3A_154 = arith.cmpi slt, %select_n3A_148, %lt3A_153 : i32
          %ne3A_155 = arith.xori %lt3A_152, %lt3A_154 : i1
          %and3A = arith.andi %ne3A_155, %ne3A_150 : i1
          %add3A_156 = arith.addi %rem3A_149, %select_n3A_148 : i32
          %select_n3A_157 = arith.select %and3A, %add3A_156, %rem3A_149 : i32
          %jit3A_158 = arith.constant 2 : i32
          %div3A = arith.divsi %add3A_109, %jit3A_158 : i32
          %sign3A = arith.constant 0 : i32
          %sign3A_159 = arith.cmpi sgt, %add3A_109, %sign3A : i32
          %sign3A_160 = arith.extui %sign3A_159 : i1 to i32
          %sign3A_161 = arith.constant 0 : i32
          %sign3A_162 = arith.cmpi slt, %add3A_109, %sign3A_161 : i32
          %sign3A_163 = arith.extui %sign3A_162 : i1 to i32
          %sign3A_164 = arith.subi %sign3A_160, %sign3A_163 : i32
          %sign3A_165 = arith.constant 0 : i32
          %sign3A_166 = arith.cmpi sgt, %jit3A_158, %sign3A_165 : i32
          %sign3A_167 = arith.extui %sign3A_166 : i1 to i32
          %sign3A_168 = arith.constant 0 : i32
          %sign3A_169 = arith.cmpi slt, %jit3A_158, %sign3A_168 : i32
          %sign3A_170 = arith.extui %sign3A_169 : i1 to i32
          %sign3A_171 = arith.subi %sign3A_167, %sign3A_170 : i32
          %ne3A_172 = arith.cmpi ne, %sign3A_164, %sign3A_171 : i32
          %rem3A_173 = arith.remsi %add3A_109, %jit3A_158 : i32
          %ne3A_174 = arith.constant 0 : i32
          %ne3A_175 = arith.cmpi ne, %rem3A_173, %ne3A_174 : i32
          %and3A_176 = arith.andi %ne3A_172, %ne3A_175 : i1
          %sub3A_177 = arith.constant 1 : i32
          %sub3A_178 = arith.subi %div3A, %sub3A_177 : i32
          %select_n3A_179 = arith.select %and3A_176, %sub3A_178, %div3A : i32
          %mul3A_180 = arith.constant 128 : i32
          %mul3A_181 = arith.muli %mul3A_180, %select_n3A_157 : i32
          %mul3A_182 = arith.constant 256 : i32
          %mul3A_183 = arith.muli %mul3A_182, %select_n3A_179 : i32
          %dma_wait3A = arith.constant 0 : i32
          %dma_wait3A_184 = arith.constant 0 : i32
          %dma_wait3A_185 = tpu.memref_slice %run_scoped3A_18[%rem3A_143, %dma_wait3A, %dma_wait3A_184] : memref<2x128x256xf32, #tpu.memory_space<vmem>> -> memref<1x128x256xf32, #tpu.memory_space<vmem>>
          %dma_wait3A_186 = tpu.memref_squeeze %dma_wait3A_185 : memref<1x128x256xf32, #tpu.memory_space<vmem>> -> memref<128x256xf32, #tpu.memory_space<vmem>>
          %dma_wait3A_187 = tpu.memref_slice %arg4[%mul3A_181, %mul3A_183] : memref<256x2048xf32, #tpu.memory_space<hbm>> -> memref<128x256xf32, #tpu.memory_space<hbm>>
          %dma_wait3A_188 = tpu.memref_slice %run_scoped3A_19[%rem3A_143] : memref<2x!tpu.dma_semaphore, #tpu.memory_space<semaphore_mem>> -> memref<1x!tpu.dma_semaphore, #tpu.memory_space<semaphore_mem>>
          %dma_wait3A_189 = tpu.memref_squeeze %dma_wait3A_188 : memref<1x!tpu.dma_semaphore, #tpu.memory_space<semaphore_mem>> -> memref<!tpu.dma_semaphore, #tpu.memory_space<semaphore_mem>>
          %dma_wait3A_190 = tpu.memref_slice %arg4[%mul3A_181, %mul3A_183] : memref<256x2048xf32, #tpu.memory_space<hbm>> -> memref<128x256xf32, #tpu.memory_space<hbm>>
          %dma_wait3A_191 = arith.constant 0 : i32
          %dma_wait3A_192 = arith.constant 0 : i32
          %dma_wait3A_193 = tpu.memref_slice %run_scoped3A_18[%rem3A_143, %dma_wait3A_191, %dma_wait3A_192] : memref<2x128x256xf32, #tpu.memory_space<vmem>> -> memref<1x128x256xf32, #tpu.memory_space<vmem>>
          %dma_wait3A_194 = tpu.memref_squeeze %dma_wait3A_193 : memref<1x128x256xf32, #tpu.memory_space<vmem>> -> memref<128x256xf32, #tpu.memory_space<vmem>>
          tpu.wait_dma2 semaphore(%dma_wait3A_189 : memref<!tpu.dma_semaphore, #tpu.memory_space<semaphore_mem>>) src(%dma_wait3A_194 : memref<128x256xf32, #tpu.memory_space<vmem>>) dst(%dma_wait3A_190 : memref<128x256xf32, #tpu.memory_space<hbm>>)
          "tpu.trace_stop"() : () -> ()
        } else {
        }
      } else {
      }
      tpu.yield
    }) : () -> ()
    return
  }
}

module attributes {stable_mosaic.version = 14 : i64} {
  func.func @_onehot_kernel(%arg0: i32, %arg1: memref<2048x1xi32, #tpu.memory_space<vmem>>, %arg2: memref<2048x2048xf32, #tpu.memory_space<vmem>>) attributes {dimension_semantics = [#tpu.dimension_semantics<parallel>], iteration_bounds = array<i64: 4>, scalar_prefetch = 0 : i64, scratch_operands = 0 : i64, tpu.core_type = #tpu.core_type<tc>, window_params = [{pipeline_mode = #tpu.pipeline_mode<synchronous>, transform_indices = @transform_0, window_bounds = array<i64: 2048, 1>}, {transform_indices = @transform_1, window_bounds = array<i64: 2048, 2048>}]} {
    %get3A = arith.constant 0 : index
    %get3A_0 = arith.constant 0 : index
    %get3A_1 = vector.load %arg1[%get3A, %get3A_0] : memref<2048x1xi32, #tpu.memory_space<vmem>>, vector<2048x1xi32>
    %iota3A = tpu.iota {dimensions = array<i32: 1>} : vector<2048x2048xi32>
    %mul3A = arith.constant 2048 : i32
    %mul3A_2 = arith.muli %arg0, %mul3A : i32
    %add3A = vector.broadcast %mul3A_2 : i32 to vector<2048x2048xi32>
    %add3A_3 = arith.addi %iota3A, %add3A : vector<2048x2048xi32>
    %eq3A = vector.broadcast %get3A_1 : vector<2048x1xi32> to vector<2048x2048xi32>
    %eq3A_4 = arith.cmpi eq, %add3A_3, %eq3A : vector<2048x2048xi32>
    %convert_element_type3A = arith.extui %eq3A_4 : vector<2048x2048xi1> to vector<2048x2048xi32>
    %convert_element_type3A_5 = arith.sitofp %convert_element_type3A : vector<2048x2048xi32> to vector<2048x2048xf32>
    %swap3A = arith.constant 0 : index
    %swap3A_6 = arith.constant 0 : index
    %swap3A_7 = vector.load %arg2[%swap3A, %swap3A_6] : memref<2048x2048xf32, #tpu.memory_space<vmem>>, vector<2048x2048xf32>
    tpu.vector_store %arg2[%swap3A, %swap3A_6], %convert_element_type3A_5 {strides = array<i32>} : memref<2048x2048xf32, #tpu.memory_space<vmem>>, vector<2048x2048xf32>,
    return
  }
  func.func @transform_0(%arg0: i32) -> (i32, i32) {
    %c0_i32 = arith.constant 0 : i32
    %c0_i32_0 = arith.constant 0 : i32
    %c0_i32_1 = arith.constant 0 : i32
    return %c0_i32, %c0_i32_0 : i32, i32
  }
  func.func @transform_1(%arg0: i32) -> (i32, i32) {
    %c0_i32 = arith.constant 0 : i32
    %c0_i32_0 = arith.constant 0 : i32
    return %c0_i32, %arg0 : i32, i32
  }
}

module attributes {stable_mosaic.version = 14 : i64} {
  func.func @_argmin_kernel(%arg0: i32, %arg1: memref<256x256xf32, #tpu.memory_space<vmem>>, %arg2: memref<1x8192x256xf32, #tpu.memory_space<vmem>>, %arg3: memref<1x256x1xi32, #tpu.memory_space<vmem>>, %arg4: memref<1x256x1xi32, #tpu.memory_space<vmem>>) attributes {dimension_semantics = [#tpu.dimension_semantics<parallel>], iteration_bounds = array<i64: 8>, scalar_prefetch = 0 : i64, scratch_operands = 0 : i64, tpu.core_type = #tpu.core_type<tc>, window_params = [{transform_indices = @transform_0, window_bounds = array<i64: 256, 256>}, {transform_indices = @transform_1, window_bounds = array<i64: 1, 8192, 256>}, {transform_indices = @transform_2, window_bounds = array<i64: 1, 256, 1>}, {transform_indices = @transform_3, window_bounds = array<i64: 1, 256, 1>}]} {
    %get3A = arith.constant 0 : index
    %get3A_0 = arith.constant 0 : index
    %get3A_1 = vector.load %arg1[%get3A, %get3A_0] : memref<256x256xf32, #tpu.memory_space<vmem>>, vector<256x256xf32>
    %get3A_2 = arith.constant 0 : index
    %get3A_3 = arith.constant 0 : index
    %get3A_4 = arith.constant 0 : index
    %get3A_5 = vector.load %arg2[%get3A_2, %get3A_3, %get3A_4] : memref<1x8192x256xf32, #tpu.memory_space<vmem>>, vector<1x8192x256xf32>
    %get3A_6 = vector.shape_cast %get3A_5 : vector<1x8192x256xf32> to vector<8192x256xf32>
    %mul3A = arith.constant -2.000000e+00 : f32
    %mul3A_7 = vector.broadcast %mul3A : f32 to vector<256x256xf32>
    %mul3A_8 = arith.mulf %mul3A_7, %get3A_1 : vector<256x256xf32>
    %dot_general3A = arith.constant dense<0.000000e+00> : vector<256x8192xf32>
    %dot_general3A_9 = tpu.matmul %mul3A_8, %get3A_6, %dot_general3A {dimension_numbers = #tpu.dot_dimension_numbers<[1], [1], [0], [0], [0, 0, 1, 0], [], []>, transpose_lhs_hint = false} : vector<256x256xf32>, vector<8192x256xf32>, vector<256x8192xf32> -> vector<256x8192xf32>
    %broadcast_in_dim3A = arith.constant 1.000000e+00 : f32
    %broadcast_in_dim3A_10 = vector.broadcast %broadcast_in_dim3A : f32 to vector<1x256xf32>
    %mul3A_11 = arith.mulf %get3A_6, %get3A_6 : vector<8192x256xf32>
    %dot_general3A_12 = arith.constant dense<0.000000e+00> : vector<1x8192xf32>
    %dot_general3A_13 = tpu.matmul %broadcast_in_dim3A_10, %mul3A_11, %dot_general3A_12 {dimension_numbers = #tpu.dot_dimension_numbers<[1], [1], [0], [0], [0, 0, 1, 0], [], []>, precision = #tpu.contract_precision<fp32>, transpose_lhs_hint = false} : vector<1x256xf32>, vector<8192x256xf32>, vector<1x8192xf32> -> vector<1x8192xf32>
    %mul3A_14 = arith.mulf %get3A_1, %get3A_1 : vector<256x256xf32>
    %broadcast_in_dim3A_15 = arith.constant 1.000000e+00 : f32
    %broadcast_in_dim3A_16 = vector.broadcast %broadcast_in_dim3A_15 : f32 to vector<1x256xf32>
    %dot_general3A_17 = arith.constant dense<0.000000e+00> : vector<256x1xf32>
    %dot_general3A_18 = tpu.matmul %mul3A_14, %broadcast_in_dim3A_16, %dot_general3A_17 {dimension_numbers = #tpu.dot_dimension_numbers<[1], [1], [0], [0], [0, 0, 1, 0], [], []>, precision = #tpu.contract_precision<fp32>, transpose_lhs_hint = false} : vector<256x256xf32>, vector<1x256xf32>, vector<256x1xf32> -> vector<256x1xf32>
    %add3A = vector.broadcast %dot_general3A_18 : vector<256x1xf32> to vector<256x8192xf32>
    %add3A_19 = arith.addf %add3A, %dot_general3A_9 : vector<256x8192xf32>
    %add3A_20 = vector.broadcast %dot_general3A_13 : vector<1x8192xf32> to vector<256x8192xf32>
    %add3A_21 = arith.addf %add3A_19, %add3A_20 : vector<256x8192xf32>
    %broadcast_in_dim3A_22 = arith.constant 0x7F800000 : f32
    %broadcast_in_dim3A_23 = vector.broadcast %broadcast_in_dim3A_22 : f32 to vector<256x128xf32>
    %broadcast_in_dim3A_24 = arith.constant 0 : i32
    %broadcast_in_dim3A_25 = vector.broadcast %broadcast_in_dim3A_24 : i32 to vector<256x128xi32>
    %iota3A = tpu.iota {dimensions = array<i32: 1>} : vector<256x128xi32>
    %slice3A = vector.extract_strided_slice %add3A_21 {offsets = [0, 0], sizes = [256, 128], strides = [1, 1]} : vector<256x8192xf32> to vector<256x128xf32>
    %add3A_26 = arith.constant 0 : i32
    %add3A_27 = vector.broadcast %add3A_26 : i32 to vector<256x128xi32>
    %add3A_28 = arith.addi %iota3A, %add3A_27 : vector<256x128xi32>
    %lt3A = arith.cmpf olt, %slice3A, %broadcast_in_dim3A_23 : vector<256x128xf32>
    %select_n3A = arith.select %lt3A, %slice3A, %broadcast_in_dim3A_23 : vector<256x128xi1>, vector<256x128xf32>
    %select_n3A_29 = arith.select %lt3A, %add3A_28, %broadcast_in_dim3A_25 : vector<256x128xi1>, vector<256x128xi32>
    %slice3A_30 = vector.extract_strided_slice %add3A_21 {offsets = [0, 128], sizes = [256, 128], strides = [1, 1]} : vector<256x8192xf32> to vector<256x128xf32>
    %add3A_31 = arith.constant 128 : i32
    %add3A_32 = vector.broadcast %add3A_31 : i32 to vector<256x128xi32>
    %add3A_33 = arith.addi %iota3A, %add3A_32 : vector<256x128xi32>
    %lt3A_34 = arith.cmpf olt, %slice3A_30, %select_n3A : vector<256x128xf32>
    %select_n3A_35 = arith.select %lt3A_34, %slice3A_30, %select_n3A : vector<256x128xi1>, vector<256x128xf32>
    %select_n3A_36 = arith.select %lt3A_34, %add3A_33, %select_n3A_29 : vector<256x128xi1>, vector<256x128xi32>
    %slice3A_37 = vector.extract_strided_slice %add3A_21 {offsets = [0, 256], sizes = [256, 128], strides = [1, 1]} : vector<256x8192xf32> to vector<256x128xf32>
    %add3A_38 = arith.constant 256 : i32
    %add3A_39 = vector.broadcast %add3A_38 : i32 to vector<256x128xi32>
    %add3A_40 = arith.addi %iota3A, %add3A_39 : vector<256x128xi32>
    %lt3A_41 = arith.cmpf olt, %slice3A_37, %select_n3A_35 : vector<256x128xf32>
    %select_n3A_42 = arith.select %lt3A_41, %slice3A_37, %select_n3A_35 : vector<256x128xi1>, vector<256x128xf32>
    %select_n3A_43 = arith.select %lt3A_41, %add3A_40, %select_n3A_36 : vector<256x128xi1>, vector<256x128xi32>
    %slice3A_44 = vector.extract_strided_slice %add3A_21 {offsets = [0, 384], sizes = [256, 128], strides = [1, 1]} : vector<256x8192xf32> to vector<256x128xf32>
    %add3A_45 = arith.constant 384 : i32
    %add3A_46 = vector.broadcast %add3A_45 : i32 to vector<256x128xi32>
    %add3A_47 = arith.addi %iota3A, %add3A_46 : vector<256x128xi32>
    %lt3A_48 = arith.cmpf olt, %slice3A_44, %select_n3A_42 : vector<256x128xf32>
    %select_n3A_49 = arith.select %lt3A_48, %slice3A_44, %select_n3A_42 : vector<256x128xi1>, vector<256x128xf32>
    %select_n3A_50 = arith.select %lt3A_48, %add3A_47, %select_n3A_43 : vector<256x128xi1>, vector<256x128xi32>
    %slice3A_51 = vector.extract_strided_slice %add3A_21 {offsets = [0, 512], sizes = [256, 128], strides = [1, 1]} : vector<256x8192xf32> to vector<256x128xf32>
    %add3A_52 = arith.constant 512 : i32
    %add3A_53 = vector.broadcast %add3A_52 : i32 to vector<256x128xi32>
    %add3A_54 = arith.addi %iota3A, %add3A_53 : vector<256x128xi32>
    %lt3A_55 = arith.cmpf olt, %slice3A_51, %select_n3A_49 : vector<256x128xf32>
    %select_n3A_56 = arith.select %lt3A_55, %slice3A_51, %select_n3A_49 : vector<256x128xi1>, vector<256x128xf32>
    %select_n3A_57 = arith.select %lt3A_55, %add3A_54, %select_n3A_50 : vector<256x128xi1>, vector<256x128xi32>
    %slice3A_58 = vector.extract_strided_slice %add3A_21 {offsets = [0, 640], sizes = [256, 128], strides = [1, 1]} : vector<256x8192xf32> to vector<256x128xf32>
    %add3A_59 = arith.constant 640 : i32
    %add3A_60 = vector.broadcast %add3A_59 : i32 to vector<256x128xi32>
    %add3A_61 = arith.addi %iota3A, %add3A_60 : vector<256x128xi32>
    %lt3A_62 = arith.cmpf olt, %slice3A_58, %select_n3A_56 : vector<256x128xf32>
    %select_n3A_63 = arith.select %lt3A_62, %slice3A_58, %select_n3A_56 : vector<256x128xi1>, vector<256x128xf32>
    %select_n3A_64 = arith.select %lt3A_62, %add3A_61, %select_n3A_57 : vector<256x128xi1>, vector<256x128xi32>
    %slice3A_65 = vector.extract_strided_slice %add3A_21 {offsets = [0, 768], sizes = [256, 128], strides = [1, 1]} : vector<256x8192xf32> to vector<256x128xf32>
    %add3A_66 = arith.constant 768 : i32
    %add3A_67 = vector.broadcast %add3A_66 : i32 to vector<256x128xi32>
    %add3A_68 = arith.addi %iota3A, %add3A_67 : vector<256x128xi32>
    %lt3A_69 = arith.cmpf olt, %slice3A_65, %select_n3A_63 : vector<256x128xf32>
    %select_n3A_70 = arith.select %lt3A_69, %slice3A_65, %select_n3A_63 : vector<256x128xi1>, vector<256x128xf32>
    %select_n3A_71 = arith.select %lt3A_69, %add3A_68, %select_n3A_64 : vector<256x128xi1>, vector<256x128xi32>
    %slice3A_72 = vector.extract_strided_slice %add3A_21 {offsets = [0, 896], sizes = [256, 128], strides = [1, 1]} : vector<256x8192xf32> to vector<256x128xf32>
    %add3A_73 = arith.constant 896 : i32
    %add3A_74 = vector.broadcast %add3A_73 : i32 to vector<256x128xi32>
    %add3A_75 = arith.addi %iota3A, %add3A_74 : vector<256x128xi32>
    %lt3A_76 = arith.cmpf olt, %slice3A_72, %select_n3A_70 : vector<256x128xf32>
    %select_n3A_77 = arith.select %lt3A_76, %slice3A_72, %select_n3A_70 : vector<256x128xi1>, vector<256x128xf32>
    %select_n3A_78 = arith.select %lt3A_76, %add3A_75, %select_n3A_71 : vector<256x128xi1>, vector<256x128xi32>
    %slice3A_79 = vector.extract_strided_slice %add3A_21 {offsets = [0, 1024], sizes = [256, 128], strides = [1, 1]} : vector<256x8192xf32> to vector<256x128xf32>
    %add3A_80 = arith.constant 1024 : i32
    %add3A_81 = vector.broadcast %add3A_80 : i32 to vector<256x128xi32>
    %add3A_82 = arith.addi %iota3A, %add3A_81 : vector<256x128xi32>
    %lt3A_83 = arith.cmpf olt, %slice3A_79, %select_n3A_77 : vector<256x128xf32>
    %select_n3A_84 = arith.select %lt3A_83, %slice3A_79, %select_n3A_77 : vector<256x128xi1>, vector<256x128xf32>
    %select_n3A_85 = arith.select %lt3A_83, %add3A_82, %select_n3A_78 : vector<256x128xi1>, vector<256x128xi32>
    %slice3A_86 = vector.extract_strided_slice %add3A_21 {offsets = [0, 1152], sizes = [256, 128], strides = [1, 1]} : vector<256x8192xf32> to vector<256x128xf32>
    %add3A_87 = arith.constant 1152 : i32
    %add3A_88 = vector.broadcast %add3A_87 : i32 to vector<256x128xi32>
    %add3A_89 = arith.addi %iota3A, %add3A_88 : vector<256x128xi32>
    %lt3A_90 = arith.cmpf olt, %slice3A_86, %select_n3A_84 : vector<256x128xf32>
    %select_n3A_91 = arith.select %lt3A_90, %slice3A_86, %select_n3A_84 : vector<256x128xi1>, vector<256x128xf32>
    %select_n3A_92 = arith.select %lt3A_90, %add3A_89, %select_n3A_85 : vector<256x128xi1>, vector<256x128xi32>
    %slice3A_93 = vector.extract_strided_slice %add3A_21 {offsets = [0, 1280], sizes = [256, 128], strides = [1, 1]} : vector<256x8192xf32> to vector<256x128xf32>
    %add3A_94 = arith.constant 1280 : i32
    %add3A_95 = vector.broadcast %add3A_94 : i32 to vector<256x128xi32>
    %add3A_96 = arith.addi %iota3A, %add3A_95 : vector<256x128xi32>
    %lt3A_97 = arith.cmpf olt, %slice3A_93, %select_n3A_91 : vector<256x128xf32>
    %select_n3A_98 = arith.select %lt3A_97, %slice3A_93, %select_n3A_91 : vector<256x128xi1>, vector<256x128xf32>
    %select_n3A_99 = arith.select %lt3A_97, %add3A_96, %select_n3A_92 : vector<256x128xi1>, vector<256x128xi32>
    %slice3A_100 = vector.extract_strided_slice %add3A_21 {offsets = [0, 1408], sizes = [256, 128], strides = [1, 1]} : vector<256x8192xf32> to vector<256x128xf32>
    %add3A_101 = arith.constant 1408 : i32
    %add3A_102 = vector.broadcast %add3A_101 : i32 to vector<256x128xi32>
    %add3A_103 = arith.addi %iota3A, %add3A_102 : vector<256x128xi32>
    %lt3A_104 = arith.cmpf olt, %slice3A_100, %select_n3A_98 : vector<256x128xf32>
    %select_n3A_105 = arith.select %lt3A_104, %slice3A_100, %select_n3A_98 : vector<256x128xi1>, vector<256x128xf32>
    %select_n3A_106 = arith.select %lt3A_104, %add3A_103, %select_n3A_99 : vector<256x128xi1>, vector<256x128xi32>
    %slice3A_107 = vector.extract_strided_slice %add3A_21 {offsets = [0, 1536], sizes = [256, 128], strides = [1, 1]} : vector<256x8192xf32> to vector<256x128xf32>
    %add3A_108 = arith.constant 1536 : i32
    %add3A_109 = vector.broadcast %add3A_108 : i32 to vector<256x128xi32>
    %add3A_110 = arith.addi %iota3A, %add3A_109 : vector<256x128xi32>
    %lt3A_111 = arith.cmpf olt, %slice3A_107, %select_n3A_105 : vector<256x128xf32>
    %select_n3A_112 = arith.select %lt3A_111, %slice3A_107, %select_n3A_105 : vector<256x128xi1>, vector<256x128xf32>
    %select_n3A_113 = arith.select %lt3A_111, %add3A_110, %select_n3A_106 : vector<256x128xi1>, vector<256x128xi32>
    %slice3A_114 = vector.extract_strided_slice %add3A_21 {offsets = [0, 1664], sizes = [256, 128], strides = [1, 1]} : vector<256x8192xf32> to vector<256x128xf32>
    %add3A_115 = arith.constant 1664 : i32
    %add3A_116 = vector.broadcast %add3A_115 : i32 to vector<256x128xi32>
    %add3A_117 = arith.addi %iota3A, %add3A_116 : vector<256x128xi32>
    %lt3A_118 = arith.cmpf olt, %slice3A_114, %select_n3A_112 : vector<256x128xf32>
    %select_n3A_119 = arith.select %lt3A_118, %slice3A_114, %select_n3A_112 : vector<256x128xi1>, vector<256x128xf32>
    %select_n3A_120 = arith.select %lt3A_118, %add3A_117, %select_n3A_113 : vector<256x128xi1>, vector<256x128xi32>
    %slice3A_121 = vector.extract_strided_slice %add3A_21 {offsets = [0, 1792], sizes = [256, 128], strides = [1, 1]} : vector<256x8192xf32> to vector<256x128xf32>
    %add3A_122 = arith.constant 1792 : i32
    %add3A_123 = vector.broadcast %add3A_122 : i32 to vector<256x128xi32>
    %add3A_124 = arith.addi %iota3A, %add3A_123 : vector<256x128xi32>
    %lt3A_125 = arith.cmpf olt, %slice3A_121, %select_n3A_119 : vector<256x128xf32>
    %select_n3A_126 = arith.select %lt3A_125, %slice3A_121, %select_n3A_119 : vector<256x128xi1>, vector<256x128xf32>
    %select_n3A_127 = arith.select %lt3A_125, %add3A_124, %select_n3A_120 : vector<256x128xi1>, vector<256x128xi32>
    %slice3A_128 = vector.extract_strided_slice %add3A_21 {offsets = [0, 1920], sizes = [256, 128], strides = [1, 1]} : vector<256x8192xf32> to vector<256x128xf32>
    %add3A_129 = arith.constant 1920 : i32
    %add3A_130 = vector.broadcast %add3A_129 : i32 to vector<256x128xi32>
    %add3A_131 = arith.addi %iota3A, %add3A_130 : vector<256x128xi32>
    %lt3A_132 = arith.cmpf olt, %slice3A_128, %select_n3A_126 : vector<256x128xf32>
    %select_n3A_133 = arith.select %lt3A_132, %slice3A_128, %select_n3A_126 : vector<256x128xi1>, vector<256x128xf32>
    %select_n3A_134 = arith.select %lt3A_132, %add3A_131, %select_n3A_127 : vector<256x128xi1>, vector<256x128xi32>
    %slice3A_135 = vector.extract_strided_slice %add3A_21 {offsets = [0, 2048], sizes = [256, 128], strides = [1, 1]} : vector<256x8192xf32> to vector<256x128xf32>
    %add3A_136 = arith.constant 2048 : i32
    %add3A_137 = vector.broadcast %add3A_136 : i32 to vector<256x128xi32>
    %add3A_138 = arith.addi %iota3A, %add3A_137 : vector<256x128xi32>
    %lt3A_139 = arith.cmpf olt, %slice3A_135, %select_n3A_133 : vector<256x128xf32>
    %select_n3A_140 = arith.select %lt3A_139, %slice3A_135, %select_n3A_133 : vector<256x128xi1>, vector<256x128xf32>
    %select_n3A_141 = arith.select %lt3A_139, %add3A_138, %select_n3A_134 : vector<256x128xi1>, vector<256x128xi32>
    %slice3A_142 = vector.extract_strided_slice %add3A_21 {offsets = [0, 2176], sizes = [256, 128], strides = [1, 1]} : vector<256x8192xf32> to vector<256x128xf32>
    %add3A_143 = arith.constant 2176 : i32
    %add3A_144 = vector.broadcast %add3A_143 : i32 to vector<256x128xi32>
    %add3A_145 = arith.addi %iota3A, %add3A_144 : vector<256x128xi32>
    %lt3A_146 = arith.cmpf olt, %slice3A_142, %select_n3A_140 : vector<256x128xf32>
    %select_n3A_147 = arith.select %lt3A_146, %slice3A_142, %select_n3A_140 : vector<256x128xi1>, vector<256x128xf32>
    %select_n3A_148 = arith.select %lt3A_146, %add3A_145, %select_n3A_141 : vector<256x128xi1>, vector<256x128xi32>
    %slice3A_149 = vector.extract_strided_slice %add3A_21 {offsets = [0, 2304], sizes = [256, 128], strides = [1, 1]} : vector<256x8192xf32> to vector<256x128xf32>
    %add3A_150 = arith.constant 2304 : i32
    %add3A_151 = vector.broadcast %add3A_150 : i32 to vector<256x128xi32>
    %add3A_152 = arith.addi %iota3A, %add3A_151 : vector<256x128xi32>
    %lt3A_153 = arith.cmpf olt, %slice3A_149, %select_n3A_147 : vector<256x128xf32>
    %select_n3A_154 = arith.select %lt3A_153, %slice3A_149, %select_n3A_147 : vector<256x128xi1>, vector<256x128xf32>
    %select_n3A_155 = arith.select %lt3A_153, %add3A_152, %select_n3A_148 : vector<256x128xi1>, vector<256x128xi32>
    %slice3A_156 = vector.extract_strided_slice %add3A_21 {offsets = [0, 2432], sizes = [256, 128], strides = [1, 1]} : vector<256x8192xf32> to vector<256x128xf32>
    %add3A_157 = arith.constant 2432 : i32
    %add3A_158 = vector.broadcast %add3A_157 : i32 to vector<256x128xi32>
    %add3A_159 = arith.addi %iota3A, %add3A_158 : vector<256x128xi32>
    %lt3A_160 = arith.cmpf olt, %slice3A_156, %select_n3A_154 : vector<256x128xf32>
    %select_n3A_161 = arith.select %lt3A_160, %slice3A_156, %select_n3A_154 : vector<256x128xi1>, vector<256x128xf32>
    %select_n3A_162 = arith.select %lt3A_160, %add3A_159, %select_n3A_155 : vector<256x128xi1>, vector<256x128xi32>
    %slice3A_163 = vector.extract_strided_slice %add3A_21 {offsets = [0, 2560], sizes = [256, 128], strides = [1, 1]} : vector<256x8192xf32> to vector<256x128xf32>
    %add3A_164 = arith.constant 2560 : i32
    %add3A_165 = vector.broadcast %add3A_164 : i32 to vector<256x128xi32>
    %add3A_166 = arith.addi %iota3A, %add3A_165 : vector<256x128xi32>
    %lt3A_167 = arith.cmpf olt, %slice3A_163, %select_n3A_161 : vector<256x128xf32>
    %select_n3A_168 = arith.select %lt3A_167, %slice3A_163, %select_n3A_161 : vector<256x128xi1>, vector<256x128xf32>
    %select_n3A_169 = arith.select %lt3A_167, %add3A_166, %select_n3A_162 : vector<256x128xi1>, vector<256x128xi32>
    %slice3A_170 = vector.extract_strided_slice %add3A_21 {offsets = [0, 2688], sizes = [256, 128], strides = [1, 1]} : vector<256x8192xf32> to vector<256x128xf32>
    %add3A_171 = arith.constant 2688 : i32
    %add3A_172 = vector.broadcast %add3A_171 : i32 to vector<256x128xi32>
    %add3A_173 = arith.addi %iota3A, %add3A_172 : vector<256x128xi32>
    %lt3A_174 = arith.cmpf olt, %slice3A_170, %select_n3A_168 : vector<256x128xf32>
    %select_n3A_175 = arith.select %lt3A_174, %slice3A_170, %select_n3A_168 : vector<256x128xi1>, vector<256x128xf32>
    %select_n3A_176 = arith.select %lt3A_174, %add3A_173, %select_n3A_169 : vector<256x128xi1>, vector<256x128xi32>
    %slice3A_177 = vector.extract_strided_slice %add3A_21 {offsets = [0, 2816], sizes = [256, 128], strides = [1, 1]} : vector<256x8192xf32> to vector<256x128xf32>
    %add3A_178 = arith.constant 2816 : i32
    %add3A_179 = vector.broadcast %add3A_178 : i32 to vector<256x128xi32>
    %add3A_180 = arith.addi %iota3A, %add3A_179 : vector<256x128xi32>
    %lt3A_181 = arith.cmpf olt, %slice3A_177, %select_n3A_175 : vector<256x128xf32>
    %select_n3A_182 = arith.select %lt3A_181, %slice3A_177, %select_n3A_175 : vector<256x128xi1>, vector<256x128xf32>
    %select_n3A_183 = arith.select %lt3A_181, %add3A_180, %select_n3A_176 : vector<256x128xi1>, vector<256x128xi32>
    %slice3A_184 = vector.extract_strided_slice %add3A_21 {offsets = [0, 2944], sizes = [256, 128], strides = [1, 1]} : vector<256x8192xf32> to vector<256x128xf32>
    %add3A_185 = arith.constant 2944 : i32
    %add3A_186 = vector.broadcast %add3A_185 : i32 to vector<256x128xi32>
    %add3A_187 = arith.addi %iota3A, %add3A_186 : vector<256x128xi32>
    %lt3A_188 = arith.cmpf olt, %slice3A_184, %select_n3A_182 : vector<256x128xf32>
    %select_n3A_189 = arith.select %lt3A_188, %slice3A_184, %select_n3A_182 : vector<256x128xi1>, vector<256x128xf32>
    %select_n3A_190 = arith.select %lt3A_188, %add3A_187, %select_n3A_183 : vector<256x128xi1>, vector<256x128xi32>
    %slice3A_191 = vector.extract_strided_slice %add3A_21 {offsets = [0, 3072], sizes = [256, 128], strides = [1, 1]} : vector<256x8192xf32> to vector<256x128xf32>
    %add3A_192 = arith.constant 3072 : i32
    %add3A_193 = vector.broadcast %add3A_192 : i32 to vector<256x128xi32>
    %add3A_194 = arith.addi %iota3A, %add3A_193 : vector<256x128xi32>
    %lt3A_195 = arith.cmpf olt, %slice3A_191, %select_n3A_189 : vector<256x128xf32>
    %select_n3A_196 = arith.select %lt3A_195, %slice3A_191, %select_n3A_189 : vector<256x128xi1>, vector<256x128xf32>
    %select_n3A_197 = arith.select %lt3A_195, %add3A_194, %select_n3A_190 : vector<256x128xi1>, vector<256x128xi32>
    %slice3A_198 = vector.extract_strided_slice %add3A_21 {offsets = [0, 3200], sizes = [256, 128], strides = [1, 1]} : vector<256x8192xf32> to vector<256x128xf32>
    %add3A_199 = arith.constant 3200 : i32
    %add3A_200 = vector.broadcast %add3A_199 : i32 to vector<256x128xi32>
    %add3A_201 = arith.addi %iota3A, %add3A_200 : vector<256x128xi32>
    %lt3A_202 = arith.cmpf olt, %slice3A_198, %select_n3A_196 : vector<256x128xf32>
    %select_n3A_203 = arith.select %lt3A_202, %slice3A_198, %select_n3A_196 : vector<256x128xi1>, vector<256x128xf32>
    %select_n3A_204 = arith.select %lt3A_202, %add3A_201, %select_n3A_197 : vector<256x128xi1>, vector<256x128xi32>
    %slice3A_205 = vector.extract_strided_slice %add3A_21 {offsets = [0, 3328], sizes = [256, 128], strides = [1, 1]} : vector<256x8192xf32> to vector<256x128xf32>
    %add3A_206 = arith.constant 3328 : i32
    %add3A_207 = vector.broadcast %add3A_206 : i32 to vector<256x128xi32>
    %add3A_208 = arith.addi %iota3A, %add3A_207 : vector<256x128xi32>
    %lt3A_209 = arith.cmpf olt, %slice3A_205, %select_n3A_203 : vector<256x128xf32>
    %select_n3A_210 = arith.select %lt3A_209, %slice3A_205, %select_n3A_203 : vector<256x128xi1>, vector<256x128xf32>
    %select_n3A_211 = arith.select %lt3A_209, %add3A_208, %select_n3A_204 : vector<256x128xi1>, vector<256x128xi32>
    %slice3A_212 = vector.extract_strided_slice %add3A_21 {offsets = [0, 3456], sizes = [256, 128], strides = [1, 1]} : vector<256x8192xf32> to vector<256x128xf32>
    %add3A_213 = arith.constant 3456 : i32
    %add3A_214 = vector.broadcast %add3A_213 : i32 to vector<256x128xi32>
    %add3A_215 = arith.addi %iota3A, %add3A_214 : vector<256x128xi32>
    %lt3A_216 = arith.cmpf olt, %slice3A_212, %select_n3A_210 : vector<256x128xf32>
    %select_n3A_217 = arith.select %lt3A_216, %slice3A_212, %select_n3A_210 : vector<256x128xi1>, vector<256x128xf32>
    %select_n3A_218 = arith.select %lt3A_216, %add3A_215, %select_n3A_211 : vector<256x128xi1>, vector<256x128xi32>
    %slice3A_219 = vector.extract_strided_slice %add3A_21 {offsets = [0, 3584], sizes = [256, 128], strides = [1, 1]} : vector<256x8192xf32> to vector<256x128xf32>
    %add3A_220 = arith.constant 3584 : i32
    %add3A_221 = vector.broadcast %add3A_220 : i32 to vector<256x128xi32>
    %add3A_222 = arith.addi %iota3A, %add3A_221 : vector<256x128xi32>
    %lt3A_223 = arith.cmpf olt, %slice3A_219, %select_n3A_217 : vector<256x128xf32>
    %select_n3A_224 = arith.select %lt3A_223, %slice3A_219, %select_n3A_217 : vector<256x128xi1>, vector<256x128xf32>
    %select_n3A_225 = arith.select %lt3A_223, %add3A_222, %select_n3A_218 : vector<256x128xi1>, vector<256x128xi32>
    %slice3A_226 = vector.extract_strided_slice %add3A_21 {offsets = [0, 3712], sizes = [256, 128], strides = [1, 1]} : vector<256x8192xf32> to vector<256x128xf32>
    %add3A_227 = arith.constant 3712 : i32
    %add3A_228 = vector.broadcast %add3A_227 : i32 to vector<256x128xi32>
    %add3A_229 = arith.addi %iota3A, %add3A_228 : vector<256x128xi32>
    %lt3A_230 = arith.cmpf olt, %slice3A_226, %select_n3A_224 : vector<256x128xf32>
    %select_n3A_231 = arith.select %lt3A_230, %slice3A_226, %select_n3A_224 : vector<256x128xi1>, vector<256x128xf32>
    %select_n3A_232 = arith.select %lt3A_230, %add3A_229, %select_n3A_225 : vector<256x128xi1>, vector<256x128xi32>
    %slice3A_233 = vector.extract_strided_slice %add3A_21 {offsets = [0, 3840], sizes = [256, 128], strides = [1, 1]} : vector<256x8192xf32> to vector<256x128xf32>
    %add3A_234 = arith.constant 3840 : i32
    %add3A_235 = vector.broadcast %add3A_234 : i32 to vector<256x128xi32>
    %add3A_236 = arith.addi %iota3A, %add3A_235 : vector<256x128xi32>
    %lt3A_237 = arith.cmpf olt, %slice3A_233, %select_n3A_231 : vector<256x128xf32>
    %select_n3A_238 = arith.select %lt3A_237, %slice3A_233, %select_n3A_231 : vector<256x128xi1>, vector<256x128xf32>
    %select_n3A_239 = arith.select %lt3A_237, %add3A_236, %select_n3A_232 : vector<256x128xi1>, vector<256x128xi32>
    %slice3A_240 = vector.extract_strided_slice %add3A_21 {offsets = [0, 3968], sizes = [256, 128], strides = [1, 1]} : vector<256x8192xf32> to vector<256x128xf32>
    %add3A_241 = arith.constant 3968 : i32
    %add3A_242 = vector.broadcast %add3A_241 : i32 to vector<256x128xi32>
    %add3A_243 = arith.addi %iota3A, %add3A_242 : vector<256x128xi32>
    %lt3A_244 = arith.cmpf olt, %slice3A_240, %select_n3A_238 : vector<256x128xf32>
    %select_n3A_245 = arith.select %lt3A_244, %slice3A_240, %select_n3A_238 : vector<256x128xi1>, vector<256x128xf32>
    %select_n3A_246 = arith.select %lt3A_244, %add3A_243, %select_n3A_239 : vector<256x128xi1>, vector<256x128xi32>
    %slice3A_247 = vector.extract_strided_slice %add3A_21 {offsets = [0, 4096], sizes = [256, 128], strides = [1, 1]} : vector<256x8192xf32> to vector<256x128xf32>
    %add3A_248 = arith.constant 4096 : i32
    %add3A_249 = vector.broadcast %add3A_248 : i32 to vector<256x128xi32>
    %add3A_250 = arith.addi %iota3A, %add3A_249 : vector<256x128xi32>
    %lt3A_251 = arith.cmpf olt, %slice3A_247, %select_n3A_245 : vector<256x128xf32>
    %select_n3A_252 = arith.select %lt3A_251, %slice3A_247, %select_n3A_245 : vector<256x128xi1>, vector<256x128xf32>
    %select_n3A_253 = arith.select %lt3A_251, %add3A_250, %select_n3A_246 : vector<256x128xi1>, vector<256x128xi32>
    %slice3A_254 = vector.extract_strided_slice %add3A_21 {offsets = [0, 4224], sizes = [256, 128], strides = [1, 1]} : vector<256x8192xf32> to vector<256x128xf32>
    %add3A_255 = arith.constant 4224 : i32
    %add3A_256 = vector.broadcast %add3A_255 : i32 to vector<256x128xi32>
    %add3A_257 = arith.addi %iota3A, %add3A_256 : vector<256x128xi32>
    %lt3A_258 = arith.cmpf olt, %slice3A_254, %select_n3A_252 : vector<256x128xf32>
    %select_n3A_259 = arith.select %lt3A_258, %slice3A_254, %select_n3A_252 : vector<256x128xi1>, vector<256x128xf32>
    %select_n3A_260 = arith.select %lt3A_258, %add3A_257, %select_n3A_253 : vector<256x128xi1>, vector<256x128xi32>
    %slice3A_261 = vector.extract_strided_slice %add3A_21 {offsets = [0, 4352], sizes = [256, 128], strides = [1, 1]} : vector<256x8192xf32> to vector<256x128xf32>
    %add3A_262 = arith.constant 4352 : i32
    %add3A_263 = vector.broadcast %add3A_262 : i32 to vector<256x128xi32>
    %add3A_264 = arith.addi %iota3A, %add3A_263 : vector<256x128xi32>
    %lt3A_265 = arith.cmpf olt, %slice3A_261, %select_n3A_259 : vector<256x128xf32>
    %select_n3A_266 = arith.select %lt3A_265, %slice3A_261, %select_n3A_259 : vector<256x128xi1>, vector<256x128xf32>
    %select_n3A_267 = arith.select %lt3A_265, %add3A_264, %select_n3A_260 : vector<256x128xi1>, vector<256x128xi32>
    %slice3A_268 = vector.extract_strided_slice %add3A_21 {offsets = [0, 4480], sizes = [256, 128], strides = [1, 1]} : vector<256x8192xf32> to vector<256x128xf32>
    %add3A_269 = arith.constant 4480 : i32
    %add3A_270 = vector.broadcast %add3A_269 : i32 to vector<256x128xi32>
    %add3A_271 = arith.addi %iota3A, %add3A_270 : vector<256x128xi32>
    %lt3A_272 = arith.cmpf olt, %slice3A_268, %select_n3A_266 : vector<256x128xf32>
    %select_n3A_273 = arith.select %lt3A_272, %slice3A_268, %select_n3A_266 : vector<256x128xi1>, vector<256x128xf32>
    %select_n3A_274 = arith.select %lt3A_272, %add3A_271, %select_n3A_267 : vector<256x128xi1>, vector<256x128xi32>
    %slice3A_275 = vector.extract_strided_slice %add3A_21 {offsets = [0, 4608], sizes = [256, 128], strides = [1, 1]} : vector<256x8192xf32> to vector<256x128xf32>
    %add3A_276 = arith.constant 4608 : i32
    %add3A_277 = vector.broadcast %add3A_276 : i32 to vector<256x128xi32>
    %add3A_278 = arith.addi %iota3A, %add3A_277 : vector<256x128xi32>
    %lt3A_279 = arith.cmpf olt, %slice3A_275, %select_n3A_273 : vector<256x128xf32>
    %select_n3A_280 = arith.select %lt3A_279, %slice3A_275, %select_n3A_273 : vector<256x128xi1>, vector<256x128xf32>
    %select_n3A_281 = arith.select %lt3A_279, %add3A_278, %select_n3A_274 : vector<256x128xi1>, vector<256x128xi32>
    %slice3A_282 = vector.extract_strided_slice %add3A_21 {offsets = [0, 4736], sizes = [256, 128], strides = [1, 1]} : vector<256x8192xf32> to vector<256x128xf32>
    %add3A_283 = arith.constant 4736 : i32
    %add3A_284 = vector.broadcast %add3A_283 : i32 to vector<256x128xi32>
    %add3A_285 = arith.addi %iota3A, %add3A_284 : vector<256x128xi32>
    %lt3A_286 = arith.cmpf olt, %slice3A_282, %select_n3A_280 : vector<256x128xf32>
    %select_n3A_287 = arith.select %lt3A_286, %slice3A_282, %select_n3A_280 : vector<256x128xi1>, vector<256x128xf32>
    %select_n3A_288 = arith.select %lt3A_286, %add3A_285, %select_n3A_281 : vector<256x128xi1>, vector<256x128xi32>
    %slice3A_289 = vector.extract_strided_slice %add3A_21 {offsets = [0, 4864], sizes = [256, 128], strides = [1, 1]} : vector<256x8192xf32> to vector<256x128xf32>
    %add3A_290 = arith.constant 4864 : i32
    %add3A_291 = vector.broadcast %add3A_290 : i32 to vector<256x128xi32>
    %add3A_292 = arith.addi %iota3A, %add3A_291 : vector<256x128xi32>
    %lt3A_293 = arith.cmpf olt, %slice3A_289, %select_n3A_287 : vector<256x128xf32>
    %select_n3A_294 = arith.select %lt3A_293, %slice3A_289, %select_n3A_287 : vector<256x128xi1>, vector<256x128xf32>
    %select_n3A_295 = arith.select %lt3A_293, %add3A_292, %select_n3A_288 : vector<256x128xi1>, vector<256x128xi32>
    %slice3A_296 = vector.extract_strided_slice %add3A_21 {offsets = [0, 4992], sizes = [256, 128], strides = [1, 1]} : vector<256x8192xf32> to vector<256x128xf32>
    %add3A_297 = arith.constant 4992 : i32
    %add3A_298 = vector.broadcast %add3A_297 : i32 to vector<256x128xi32>
    %add3A_299 = arith.addi %iota3A, %add3A_298 : vector<256x128xi32>
    %lt3A_300 = arith.cmpf olt, %slice3A_296, %select_n3A_294 : vector<256x128xf32>
    %select_n3A_301 = arith.select %lt3A_300, %slice3A_296, %select_n3A_294 : vector<256x128xi1>, vector<256x128xf32>
    %select_n3A_302 = arith.select %lt3A_300, %add3A_299, %select_n3A_295 : vector<256x128xi1>, vector<256x128xi32>
    %slice3A_303 = vector.extract_strided_slice %add3A_21 {offsets = [0, 5120], sizes = [256, 128], strides = [1, 1]} : vector<256x8192xf32> to vector<256x128xf32>
    %add3A_304 = arith.constant 5120 : i32
    %add3A_305 = vector.broadcast %add3A_304 : i32 to vector<256x128xi32>
    %add3A_306 = arith.addi %iota3A, %add3A_305 : vector<256x128xi32>
    %lt3A_307 = arith.cmpf olt, %slice3A_303, %select_n3A_301 : vector<256x128xf32>
    %select_n3A_308 = arith.select %lt3A_307, %slice3A_303, %select_n3A_301 : vector<256x128xi1>, vector<256x128xf32>
    %select_n3A_309 = arith.select %lt3A_307, %add3A_306, %select_n3A_302 : vector<256x128xi1>, vector<256x128xi32>
    %slice3A_310 = vector.extract_strided_slice %add3A_21 {offsets = [0, 5248], sizes = [256, 128], strides = [1, 1]} : vector<256x8192xf32> to vector<256x128xf32>
    %add3A_311 = arith.constant 5248 : i32
    %add3A_312 = vector.broadcast %add3A_311 : i32 to vector<256x128xi32>
    %add3A_313 = arith.addi %iota3A, %add3A_312 : vector<256x128xi32>
    %lt3A_314 = arith.cmpf olt, %slice3A_310, %select_n3A_308 : vector<256x128xf32>
    %select_n3A_315 = arith.select %lt3A_314, %slice3A_310, %select_n3A_308 : vector<256x128xi1>, vector<256x128xf32>
    %select_n3A_316 = arith.select %lt3A_314, %add3A_313, %select_n3A_309 : vector<256x128xi1>, vector<256x128xi32>
    %slice3A_317 = vector.extract_strided_slice %add3A_21 {offsets = [0, 5376], sizes = [256, 128], strides = [1, 1]} : vector<256x8192xf32> to vector<256x128xf32>
    %add3A_318 = arith.constant 5376 : i32
    %add3A_319 = vector.broadcast %add3A_318 : i32 to vector<256x128xi32>
    %add3A_320 = arith.addi %iota3A, %add3A_319 : vector<256x128xi32>
    %lt3A_321 = arith.cmpf olt, %slice3A_317, %select_n3A_315 : vector<256x128xf32>
    %select_n3A_322 = arith.select %lt3A_321, %slice3A_317, %select_n3A_315 : vector<256x128xi1>, vector<256x128xf32>
    %select_n3A_323 = arith.select %lt3A_321, %add3A_320, %select_n3A_316 : vector<256x128xi1>, vector<256x128xi32>
    %slice3A_324 = vector.extract_strided_slice %add3A_21 {offsets = [0, 5504], sizes = [256, 128], strides = [1, 1]} : vector<256x8192xf32> to vector<256x128xf32>
    %add3A_325 = arith.constant 5504 : i32
    %add3A_326 = vector.broadcast %add3A_325 : i32 to vector<256x128xi32>
    %add3A_327 = arith.addi %iota3A, %add3A_326 : vector<256x128xi32>
    %lt3A_328 = arith.cmpf olt, %slice3A_324, %select_n3A_322 : vector<256x128xf32>
    %select_n3A_329 = arith.select %lt3A_328, %slice3A_324, %select_n3A_322 : vector<256x128xi1>, vector<256x128xf32>
    %select_n3A_330 = arith.select %lt3A_328, %add3A_327, %select_n3A_323 : vector<256x128xi1>, vector<256x128xi32>
    %slice3A_331 = vector.extract_strided_slice %add3A_21 {offsets = [0, 5632], sizes = [256, 128], strides = [1, 1]} : vector<256x8192xf32> to vector<256x128xf32>
    %add3A_332 = arith.constant 5632 : i32
    %add3A_333 = vector.broadcast %add3A_332 : i32 to vector<256x128xi32>
    %add3A_334 = arith.addi %iota3A, %add3A_333 : vector<256x128xi32>
    %lt3A_335 = arith.cmpf olt, %slice3A_331, %select_n3A_329 : vector<256x128xf32>
    %select_n3A_336 = arith.select %lt3A_335, %slice3A_331, %select_n3A_329 : vector<256x128xi1>, vector<256x128xf32>
    %select_n3A_337 = arith.select %lt3A_335, %add3A_334, %select_n3A_330 : vector<256x128xi1>, vector<256x128xi32>
    %slice3A_338 = vector.extract_strided_slice %add3A_21 {offsets = [0, 5760], sizes = [256, 128], strides = [1, 1]} : vector<256x8192xf32> to vector<256x128xf32>
    %add3A_339 = arith.constant 5760 : i32
    %add3A_340 = vector.broadcast %add3A_339 : i32 to vector<256x128xi32>
    %add3A_341 = arith.addi %iota3A, %add3A_340 : vector<256x128xi32>
    %lt3A_342 = arith.cmpf olt, %slice3A_338, %select_n3A_336 : vector<256x128xf32>
    %select_n3A_343 = arith.select %lt3A_342, %slice3A_338, %select_n3A_336 : vector<256x128xi1>, vector<256x128xf32>
    %select_n3A_344 = arith.select %lt3A_342, %add3A_341, %select_n3A_337 : vector<256x128xi1>, vector<256x128xi32>
    %slice3A_345 = vector.extract_strided_slice %add3A_21 {offsets = [0, 5888], sizes = [256, 128], strides = [1, 1]} : vector<256x8192xf32> to vector<256x128xf32>
    %add3A_346 = arith.constant 5888 : i32
    %add3A_347 = vector.broadcast %add3A_346 : i32 to vector<256x128xi32>
    %add3A_348 = arith.addi %iota3A, %add3A_347 : vector<256x128xi32>
    %lt3A_349 = arith.cmpf olt, %slice3A_345, %select_n3A_343 : vector<256x128xf32>
    %select_n3A_350 = arith.select %lt3A_349, %slice3A_345, %select_n3A_343 : vector<256x128xi1>, vector<256x128xf32>
    %select_n3A_351 = arith.select %lt3A_349, %add3A_348, %select_n3A_344 : vector<256x128xi1>, vector<256x128xi32>
    %slice3A_352 = vector.extract_strided_slice %add3A_21 {offsets = [0, 6016], sizes = [256, 128], strides = [1, 1]} : vector<256x8192xf32> to vector<256x128xf32>
    %add3A_353 = arith.constant 6016 : i32
    %add3A_354 = vector.broadcast %add3A_353 : i32 to vector<256x128xi32>
    %add3A_355 = arith.addi %iota3A, %add3A_354 : vector<256x128xi32>
    %lt3A_356 = arith.cmpf olt, %slice3A_352, %select_n3A_350 : vector<256x128xf32>
    %select_n3A_357 = arith.select %lt3A_356, %slice3A_352, %select_n3A_350 : vector<256x128xi1>, vector<256x128xf32>
    %select_n3A_358 = arith.select %lt3A_356, %add3A_355, %select_n3A_351 : vector<256x128xi1>, vector<256x128xi32>
    %slice3A_359 = vector.extract_strided_slice %add3A_21 {offsets = [0, 6144], sizes = [256, 128], strides = [1, 1]} : vector<256x8192xf32> to vector<256x128xf32>
    %add3A_360 = arith.constant 6144 : i32
    %add3A_361 = vector.broadcast %add3A_360 : i32 to vector<256x128xi32>
    %add3A_362 = arith.addi %iota3A, %add3A_361 : vector<256x128xi32>
    %lt3A_363 = arith.cmpf olt, %slice3A_359, %select_n3A_357 : vector<256x128xf32>
    %select_n3A_364 = arith.select %lt3A_363, %slice3A_359, %select_n3A_357 : vector<256x128xi1>, vector<256x128xf32>
    %select_n3A_365 = arith.select %lt3A_363, %add3A_362, %select_n3A_358 : vector<256x128xi1>, vector<256x128xi32>
    %slice3A_366 = vector.extract_strided_slice %add3A_21 {offsets = [0, 6272], sizes = [256, 128], strides = [1, 1]} : vector<256x8192xf32> to vector<256x128xf32>
    %add3A_367 = arith.constant 6272 : i32
    %add3A_368 = vector.broadcast %add3A_367 : i32 to vector<256x128xi32>
    %add3A_369 = arith.addi %iota3A, %add3A_368 : vector<256x128xi32>
    %lt3A_370 = arith.cmpf olt, %slice3A_366, %select_n3A_364 : vector<256x128xf32>
    %select_n3A_371 = arith.select %lt3A_370, %slice3A_366, %select_n3A_364 : vector<256x128xi1>, vector<256x128xf32>
    %select_n3A_372 = arith.select %lt3A_370, %add3A_369, %select_n3A_365 : vector<256x128xi1>, vector<256x128xi32>
    %slice3A_373 = vector.extract_strided_slice %add3A_21 {offsets = [0, 6400], sizes = [256, 128], strides = [1, 1]} : vector<256x8192xf32> to vector<256x128xf32>
    %add3A_374 = arith.constant 6400 : i32
    %add3A_375 = vector.broadcast %add3A_374 : i32 to vector<256x128xi32>
    %add3A_376 = arith.addi %iota3A, %add3A_375 : vector<256x128xi32>
    %lt3A_377 = arith.cmpf olt, %slice3A_373, %select_n3A_371 : vector<256x128xf32>
    %select_n3A_378 = arith.select %lt3A_377, %slice3A_373, %select_n3A_371 : vector<256x128xi1>, vector<256x128xf32>
    %select_n3A_379 = arith.select %lt3A_377, %add3A_376, %select_n3A_372 : vector<256x128xi1>, vector<256x128xi32>
    %slice3A_380 = vector.extract_strided_slice %add3A_21 {offsets = [0, 6528], sizes = [256, 128], strides = [1, 1]} : vector<256x8192xf32> to vector<256x128xf32>
    %add3A_381 = arith.constant 6528 : i32
    %add3A_382 = vector.broadcast %add3A_381 : i32 to vector<256x128xi32>
    %add3A_383 = arith.addi %iota3A, %add3A_382 : vector<256x128xi32>
    %lt3A_384 = arith.cmpf olt, %slice3A_380, %select_n3A_378 : vector<256x128xf32>
    %select_n3A_385 = arith.select %lt3A_384, %slice3A_380, %select_n3A_378 : vector<256x128xi1>, vector<256x128xf32>
    %select_n3A_386 = arith.select %lt3A_384, %add3A_383, %select_n3A_379 : vector<256x128xi1>, vector<256x128xi32>
    %slice3A_387 = vector.extract_strided_slice %add3A_21 {offsets = [0, 6656], sizes = [256, 128], strides = [1, 1]} : vector<256x8192xf32> to vector<256x128xf32>
    %add3A_388 = arith.constant 6656 : i32
    %add3A_389 = vector.broadcast %add3A_388 : i32 to vector<256x128xi32>
    %add3A_390 = arith.addi %iota3A, %add3A_389 : vector<256x128xi32>
    %lt3A_391 = arith.cmpf olt, %slice3A_387, %select_n3A_385 : vector<256x128xf32>
    %select_n3A_392 = arith.select %lt3A_391, %slice3A_387, %select_n3A_385 : vector<256x128xi1>, vector<256x128xf32>
    %select_n3A_393 = arith.select %lt3A_391, %add3A_390, %select_n3A_386 : vector<256x128xi1>, vector<256x128xi32>
    %slice3A_394 = vector.extract_strided_slice %add3A_21 {offsets = [0, 6784], sizes = [256, 128], strides = [1, 1]} : vector<256x8192xf32> to vector<256x128xf32>
    %add3A_395 = arith.constant 6784 : i32
    %add3A_396 = vector.broadcast %add3A_395 : i32 to vector<256x128xi32>
    %add3A_397 = arith.addi %iota3A, %add3A_396 : vector<256x128xi32>
    %lt3A_398 = arith.cmpf olt, %slice3A_394, %select_n3A_392 : vector<256x128xf32>
    %select_n3A_399 = arith.select %lt3A_398, %slice3A_394, %select_n3A_392 : vector<256x128xi1>, vector<256x128xf32>
    %select_n3A_400 = arith.select %lt3A_398, %add3A_397, %select_n3A_393 : vector<256x128xi1>, vector<256x128xi32>
    %slice3A_401 = vector.extract_strided_slice %add3A_21 {offsets = [0, 6912], sizes = [256, 128], strides = [1, 1]} : vector<256x8192xf32> to vector<256x128xf32>
    %add3A_402 = arith.constant 6912 : i32
    %add3A_403 = vector.broadcast %add3A_402 : i32 to vector<256x128xi32>
    %add3A_404 = arith.addi %iota3A, %add3A_403 : vector<256x128xi32>
    %lt3A_405 = arith.cmpf olt, %slice3A_401, %select_n3A_399 : vector<256x128xf32>
    %select_n3A_406 = arith.select %lt3A_405, %slice3A_401, %select_n3A_399 : vector<256x128xi1>, vector<256x128xf32>
    %select_n3A_407 = arith.select %lt3A_405, %add3A_404, %select_n3A_400 : vector<256x128xi1>, vector<256x128xi32>
    %slice3A_408 = vector.extract_strided_slice %add3A_21 {offsets = [0, 7040], sizes = [256, 128], strides = [1, 1]} : vector<256x8192xf32> to vector<256x128xf32>
    %add3A_409 = arith.constant 7040 : i32
    %add3A_410 = vector.broadcast %add3A_409 : i32 to vector<256x128xi32>
    %add3A_411 = arith.addi %iota3A, %add3A_410 : vector<256x128xi32>
    %lt3A_412 = arith.cmpf olt, %slice3A_408, %select_n3A_406 : vector<256x128xf32>
    %select_n3A_413 = arith.select %lt3A_412, %slice3A_408, %select_n3A_406 : vector<256x128xi1>, vector<256x128xf32>
    %select_n3A_414 = arith.select %lt3A_412, %add3A_411, %select_n3A_407 : vector<256x128xi1>, vector<256x128xi32>
    %slice3A_415 = vector.extract_strided_slice %add3A_21 {offsets = [0, 7168], sizes = [256, 128], strides = [1, 1]} : vector<256x8192xf32> to vector<256x128xf32>
    %add3A_416 = arith.constant 7168 : i32
    %add3A_417 = vector.broadcast %add3A_416 : i32 to vector<256x128xi32>
    %add3A_418 = arith.addi %iota3A, %add3A_417 : vector<256x128xi32>
    %lt3A_419 = arith.cmpf olt, %slice3A_415, %select_n3A_413 : vector<256x128xf32>
    %select_n3A_420 = arith.select %lt3A_419, %slice3A_415, %select_n3A_413 : vector<256x128xi1>, vector<256x128xf32>
    %select_n3A_421 = arith.select %lt3A_419, %add3A_418, %select_n3A_414 : vector<256x128xi1>, vector<256x128xi32>
    %slice3A_422 = vector.extract_strided_slice %add3A_21 {offsets = [0, 7296], sizes = [256, 128], strides = [1, 1]} : vector<256x8192xf32> to vector<256x128xf32>
    %add3A_423 = arith.constant 7296 : i32
    %add3A_424 = vector.broadcast %add3A_423 : i32 to vector<256x128xi32>
    %add3A_425 = arith.addi %iota3A, %add3A_424 : vector<256x128xi32>
    %lt3A_426 = arith.cmpf olt, %slice3A_422, %select_n3A_420 : vector<256x128xf32>
    %select_n3A_427 = arith.select %lt3A_426, %slice3A_422, %select_n3A_420 : vector<256x128xi1>, vector<256x128xf32>
    %select_n3A_428 = arith.select %lt3A_426, %add3A_425, %select_n3A_421 : vector<256x128xi1>, vector<256x128xi32>
    %slice3A_429 = vector.extract_strided_slice %add3A_21 {offsets = [0, 7424], sizes = [256, 128], strides = [1, 1]} : vector<256x8192xf32> to vector<256x128xf32>
    %add3A_430 = arith.constant 7424 : i32
    %add3A_431 = vector.broadcast %add3A_430 : i32 to vector<256x128xi32>
    %add3A_432 = arith.addi %iota3A, %add3A_431 : vector<256x128xi32>
    %lt3A_433 = arith.cmpf olt, %slice3A_429, %select_n3A_427 : vector<256x128xf32>
    %select_n3A_434 = arith.select %lt3A_433, %slice3A_429, %select_n3A_427 : vector<256x128xi1>, vector<256x128xf32>
    %select_n3A_435 = arith.select %lt3A_433, %add3A_432, %select_n3A_428 : vector<256x128xi1>, vector<256x128xi32>
    %slice3A_436 = vector.extract_strided_slice %add3A_21 {offsets = [0, 7552], sizes = [256, 128], strides = [1, 1]} : vector<256x8192xf32> to vector<256x128xf32>
    %add3A_437 = arith.constant 7552 : i32
    %add3A_438 = vector.broadcast %add3A_437 : i32 to vector<256x128xi32>
    %add3A_439 = arith.addi %iota3A, %add3A_438 : vector<256x128xi32>
    %lt3A_440 = arith.cmpf olt, %slice3A_436, %select_n3A_434 : vector<256x128xf32>
    %select_n3A_441 = arith.select %lt3A_440, %slice3A_436, %select_n3A_434 : vector<256x128xi1>, vector<256x128xf32>
    %select_n3A_442 = arith.select %lt3A_440, %add3A_439, %select_n3A_435 : vector<256x128xi1>, vector<256x128xi32>
    %slice3A_443 = vector.extract_strided_slice %add3A_21 {offsets = [0, 7680], sizes = [256, 128], strides = [1, 1]} : vector<256x8192xf32> to vector<256x128xf32>
    %add3A_444 = arith.constant 7680 : i32
    %add3A_445 = vector.broadcast %add3A_444 : i32 to vector<256x128xi32>
    %add3A_446 = arith.addi %iota3A, %add3A_445 : vector<256x128xi32>
    %lt3A_447 = arith.cmpf olt, %slice3A_443, %select_n3A_441 : vector<256x128xf32>
    %select_n3A_448 = arith.select %lt3A_447, %slice3A_443, %select_n3A_441 : vector<256x128xi1>, vector<256x128xf32>
    %select_n3A_449 = arith.select %lt3A_447, %add3A_446, %select_n3A_442 : vector<256x128xi1>, vector<256x128xi32>
    %slice3A_450 = vector.extract_strided_slice %add3A_21 {offsets = [0, 7808], sizes = [256, 128], strides = [1, 1]} : vector<256x8192xf32> to vector<256x128xf32>
    %add3A_451 = arith.constant 7808 : i32
    %add3A_452 = vector.broadcast %add3A_451 : i32 to vector<256x128xi32>
    %add3A_453 = arith.addi %iota3A, %add3A_452 : vector<256x128xi32>
    %lt3A_454 = arith.cmpf olt, %slice3A_450, %select_n3A_448 : vector<256x128xf32>
    %select_n3A_455 = arith.select %lt3A_454, %slice3A_450, %select_n3A_448 : vector<256x128xi1>, vector<256x128xf32>
    %select_n3A_456 = arith.select %lt3A_454, %add3A_453, %select_n3A_449 : vector<256x128xi1>, vector<256x128xi32>
    %slice3A_457 = vector.extract_strided_slice %add3A_21 {offsets = [0, 7936], sizes = [256, 128], strides = [1, 1]} : vector<256x8192xf32> to vector<256x128xf32>
    %add3A_458 = arith.constant 7936 : i32
    %add3A_459 = vector.broadcast %add3A_458 : i32 to vector<256x128xi32>
    %add3A_460 = arith.addi %iota3A, %add3A_459 : vector<256x128xi32>
    %lt3A_461 = arith.cmpf olt, %slice3A_457, %select_n3A_455 : vector<256x128xf32>
    %select_n3A_462 = arith.select %lt3A_461, %slice3A_457, %select_n3A_455 : vector<256x128xi1>, vector<256x128xf32>
    %select_n3A_463 = arith.select %lt3A_461, %add3A_460, %select_n3A_456 : vector<256x128xi1>, vector<256x128xi32>
    %slice3A_464 = vector.extract_strided_slice %add3A_21 {offsets = [0, 8064], sizes = [256, 128], strides = [1, 1]} : vector<256x8192xf32> to vector<256x128xf32>
    %add3A_465 = arith.constant 8064 : i32
    %add3A_466 = vector.broadcast %add3A_465 : i32 to vector<256x128xi32>
    %add3A_467 = arith.addi %iota3A, %add3A_466 : vector<256x128xi32>
    %lt3A_468 = arith.cmpf olt, %slice3A_464, %select_n3A_462 : vector<256x128xf32>
    %select_n3A_469 = arith.select %lt3A_468, %slice3A_464, %select_n3A_462 : vector<256x128xi1>, vector<256x128xf32>
    %select_n3A_470 = arith.select %lt3A_468, %add3A_467, %select_n3A_463 : vector<256x128xi1>, vector<256x128xi32>
    %reduce_min3A = arith.constant dense<0x7F800000> : vector<256xf32>
    %reduce_min3A_471 = vector.multi_reduction <minimumf>, %select_n3A_469, %reduce_min3A [1] : vector<256x128xf32> to vector<256xf32>
    %broadcast_in_dim3A_472 = vector.shape_cast %reduce_min3A_471 : vector<256xf32> to vector<256x1xf32>
    %eq3A = vector.broadcast %broadcast_in_dim3A_472 : vector<256x1xf32> to vector<256x128xf32>
    %eq3A_473 = arith.cmpf oeq, %select_n3A_469, %eq3A : vector<256x128xf32>
    %jit3A = arith.constant 2147483647 : i32
    %broadcast_in_dim3A_474 = vector.broadcast %jit3A : i32 to vector<256x128xi32>
    %select_n3A_475 = arith.select %eq3A_473, %select_n3A_470, %broadcast_in_dim3A_474 : vector<256x128xi1>, vector<256x128xi32>
    %reduce_min3A_476 = arith.constant dense<2147483647> : vector<256xi32>
    %reduce_min3A_477 = vector.multi_reduction <minsi>, %select_n3A_475, %reduce_min3A_476 [1] : vector<256x128xi32> to vector<256xi32>
    %broadcast_in_dim3A_478 = vector.shape_cast %reduce_min3A_477 : vector<256xi32> to vector<256x1xi32>
    %mul3A_479 = arith.constant 8192 : i32
    %mul3A_480 = arith.muli %arg0, %mul3A_479 : i32
    %add3A_481 = vector.broadcast %mul3A_480 : i32 to vector<256x1xi32>
    %add3A_482 = arith.addi %broadcast_in_dim3A_478, %add3A_481 : vector<256x1xi32>
    %swap3A = arith.constant 0 : index
    %swap3A_483 = arith.constant 0 : index
    %swap3A_484 = arith.constant 0 : index
    %swap3A_485 = vector.load %arg3[%swap3A, %swap3A_483, %swap3A_484] : memref<1x256x1xi32, #tpu.memory_space<vmem>>, vector<1x256x1xi32>
    %swap3A_486 = vector.shape_cast %swap3A_485 : vector<1x256x1xi32> to vector<256x1xi32>
    %swap3A_487 = vector.shape_cast %add3A_482 : vector<256x1xi32> to vector<1x256x1xi32>
    tpu.vector_store %arg3[%swap3A, %swap3A_483, %swap3A_484], %swap3A_487 {strides = array<i32>} : memref<1x256x1xi32, #tpu.memory_space<vmem>>, vector<1x256x1xi32>,
    %swap3A_488 = arith.constant 0 : index
    %swap3A_489 = arith.constant 0 : index
    %swap3A_490 = arith.constant 0 : index
    %swap3A_491 = vector.load %arg4[%swap3A_488, %swap3A_489, %swap3A_490] : memref<1x256x1xi32, #tpu.memory_space<vmem>>, vector<1x256x1xi32>
    %swap3A_492 = vector.shape_cast %swap3A_491 : vector<1x256x1xi32> to vector<256x1xi32>
    %swap3A_493 = vector.shape_cast %broadcast_in_dim3A_478 : vector<256x1xi32> to vector<1x256x1xi32>
    tpu.vector_store %arg4[%swap3A_488, %swap3A_489, %swap3A_490], %swap3A_493 {strides = array<i32>} : memref<1x256x1xi32, #tpu.memory_space<vmem>>, vector<1x256x1xi32>,
    return
  }
  func.func @transform_0(%arg0: i32) -> (i32, i32) {
    %c0_i32 = arith.constant 0 : i32
    %c0_i32_0 = arith.constant 0 : i32
    return %c0_i32, %arg0 : i32, i32
  }
  func.func @transform_1(%arg0: i32) -> (i32, i32, i32) {
    %c0_i32 = arith.constant 0 : i32
    %c0_i32_0 = arith.constant 0 : i32
    %c0_i32_1 = arith.constant 0 : i32
    return %arg0, %c0_i32, %c0_i32_0 : i32, i32, i32
  }
  func.func @transform_2(%arg0: i32) -> (i32, i32, i32) {
    %c0_i32 = arith.constant 0 : i32
    %c0_i32_0 = arith.constant 0 : i32
    %c0_i32_1 = arith.constant 0 : i32
    return %arg0, %c0_i32, %c0_i32_0 : i32, i32, i32
  }
  func.func @transform_3(%arg0: i32) -> (i32, i32, i32) {
    %c0_i32 = arith.constant 0 : i32
    %c0_i32_0 = arith.constant 0 : i32
    %c0_i32_1 = arith.constant 0 : i32
    return %arg0, %c0_i32, %c0_i32_0 : i32, i32, i32
  }
}

</mosaic_0001>

<sc_bundles>
// kernel: kernel.5.cloned.1.call-start
scs
__scs_entry_jumppad:
0x0: {  	(pc) =	sbr.rel $0x88, $3  }
0x1: {  	(tag) =	ssettag $0x0;
	lr =	simm.s32 $0x1  }
0x2: {  	[smem:$0x3F9F] =	sst lr;
	_ =	strace $0xD0000000  }
0x3: {  	_ = 	snop  }
0x4: {  	_ = 	snop  }
0x5: {  	_ = 	snop  }
0x6: {  	_ = 	snop  }
0x7: {  	_ = 	snop  }
__scs_overlays_trampoline_lowered:
0x8: {  	[smem:$0x3FAE] =	sst s0  }
0x9: {  	[smem:$0x3FAF] =	sst s1  }
0xa: {  	[smem:$0x3FB0] =	sst s2  }
0xb: {  	[smem:$0x3FB1] =	sst s3  }
0xc: {  	[smem:$0x3FB2] =	sst s4  }
0xd: {  	[smem:$0x3FB3] =	sst s5  }
0xe: {  	[smem:$0x3FB4] =	sst s6  }
0xf: {  	[smem:$0x3FB5] =	sst s7  }
0x10: {  	[smem:$0x3FB6] =	sst s8  }
0x11: {  	[smem:$0x3FB7] =	sst s9;
	s0 =	simm.s32 @!p0 $0x0  }
0x12: {  	s1 =	sld [smem:$0x3F9D];
	s0 =	simm.s32 @p0 $0x1  }
0x13: {  	[smem:$0x3FB8] =	sst s0;
	s0 =	simm.s32 @!p1 $0x0  }
0x14: {  	s2 =	sld [smem:$0x3F9C];
	s0 =	simm.s32 @p1 $0x1  }
0x15: {  	[smem:$0x3FB9] =	sst s0;
	s0 =	simm.s32 @!p2 $0x0  }
0x16: {  	s3 =	sld [smem:$0x3FDB];
	s0 =	simm.s32 @p2 $0x1  }
0x17: {  	s4 =	simm.s32 $0x1BF5;
	[smem:$0x3FBB] =	sst s0  }
0x18: {  	s0 =	sld [smem:$0x3F9E];
	_ =	swait.ge [sflag:s4], $0x0  }
0x19: {  	s7 =	sld [smem:$0x3F9F]  }
0x1a: {  	s8 =	sadd.s32 $0xFFFFE003, lr  }
0x1b: {  	s9 =	sadd.s32 $0xFFFFFEF7, lr;
	s5 =	simm.s32 $0xFFFFFFFF;
	p2 =	slt.u32 s8, $0xFFFFF086  }
0x1c: {  	p1 =	slt.u32 s9, $0xF7A;
	s5 =	simm.s32 @!p2 $0x0  }
0x1d: {  	s5 =	simm.s32 @p1 $0x1;
	p0 =	seq.s32 s7, s2  }
0x1e: {  	s7 =	smul.u32 @!p0 $0xF7A, s2;
	p2 =	seq.s32 @!p0 s5, $0x0  }
0x1f: {  	s9 =	smul.u32 $0xF7A, s1;
	s8 =	simm.s32 @!p0 $0x1BF5;
	p2 =	por !p2, p0  }
0x20: {  	[sflag:s8] =	ssyncset.s32 @!p0 $0xFFFFF086;
	s6 =	sadd.s32 @!p0 s3, s7;
	s7 =	simm.s32 @!p0 $0x108  }
0x21: {  	s3 =	sadd.s32 s3, s9;
	s6 =	sadd.s32 @!p0 $0x88, s6;
	s7 =	simm.s32 @p2 $0x1082  }
0x22: {  	[simem:s7], [sflag:s8] =	dma.local @!p0 [hbm:s6], $0xF7A  }
0x23: {  	s9 =	sor.u32 $0xD0000000, s2;
	s6 =	simm.s32 $0x108;
	_ =	swait.ge @!p0 [sflag:s8], $0x0  }
0x24: {  	s3 =	sadd.s32 $0x88, s3;
	s6 =	simm.s32 @!p1 $0x1082;
	[sflag:s4] =	ssyncset.s32 $0xFFFFF086  }
0x25: {  	[simem:s6], [sflag:s4] =	dma.local [hbm:s3], $0xF7A  }
0x26: {  	[smem:$0x3F9F] =	sst s1;
	(tag) =	ssettag s2;
	_ =	strace s9  }
0x27: {  	s1 =	sld [smem:$0x3FAF]  }
0x28: {  	s2 =	sld [smem:$0x3FB0]  }
0x29: {  	s4 =	sld [smem:$0x3FB2]  }
0x2a: {  	p0 =	seq.s32 s5, $0x0;
	s5 =	sld [smem:$0x3FB3]  }
0x2b: {  	s6 =	sld [smem:$0x3FB4]  }
0x2c: {  	s7 =	sld [smem:$0x3FB5]  }
0x2d: {  	s3 =	simm.s32 $0x108;
	s8 =	sld [smem:$0x3FB6]  }
0x2e: {  	s3 =	simm.s32 @!p0 $0x1082;
	s9 =	sld [smem:$0x3FB7]  }
0x2f: {  	lr =	sadd.s32 s0, s3;
	s0 =	sld [smem:$0x3FAE]  }
0x30: {  	s3 =	sld [smem:$0x3FB1]  }
0x31: {  	[smem:$0x3FBA] =	sst s10  }
0x32: {  	s10 =	sld [smem:$0x3FB8];
	_ =	sdelay $0x3  }
0x33: {  	p0 =	seq.s32 s10, $0x1;
	s10 =	sld [smem:$0x3FBA];
	_ =	sdelay $0x3  }
0x34: {  	[smem:$0x3FBA] =	sst s10  }
0x35: {  	s10 =	sld [smem:$0x3FB9];
	_ =	sdelay $0x3  }
0x36: {  	p1 =	seq.s32 s10, $0x1;
	s10 =	sld [smem:$0x3FBA];
	_ =	sdelay $0x3  }
0x37: {  	[smem:$0x3FBA] =	sst s10  }
0x38: {  	s10 =	sld [smem:$0x3FBB]  }
0x39: {  	_ = 	snop;
	(pc) =	sbr.ind lr, $3  }
0x3a: {  	_ = 	snop  }
0x3b: {  	_ = 	snop  }
0x3c: {  	p2 =	seq.s32 s10, $0x1;
	s10 =	sld [smem:$0x3FBA]  }
0x3d: {  	_ =	shalt  }
0x3e: {  	_ =	shalt  }
0x3f: {  	_ =	shalt  }
0x40: {  	_ =	shalt  }
0x41: {  	_ =	shalt  }
0x42: {  	_ =	shalt  }
0x43: {  	_ =	shalt  }
0x44: {  	_ =	shalt  }
0x45: {  	_ =	shalt  }
0x46: {  	_ =	shalt  }
0x47: {  	_ =	shalt  }
0x48: {  	_ =	shalt  }
0x49: {  	_ =	shalt  }
0x4a: {  	_ =	shalt  }
0x4b: {  	_ =	shalt  }
0x4c: {  	_ =	shalt  }
0x4d: {  	_ =	shalt  }
0x4e: {  	_ =	shalt  }
0x4f: {  	_ =	shalt  }
0x50: {  	_ =	shalt  }
0x51: {  	_ =	shalt  }
0x52: {  	_ =	shalt  }
0x53: {  	_ =	shalt  }
0x54: {  	_ =	shalt  }
0x55: {  	_ =	shalt  }
0x56: {  	_ =	shalt  }
0x57: {  	_ =	shalt  }
0x58: {  	_ =	shalt  }
0x59: {  	_ =	shalt  }
0x5a: {  	_ =	shalt  }
0x5b: {  	_ =	shalt  }
0x5c: {  	_ =	shalt  }
0x5d: {  	_ =	shalt  }
0x5e: {  	_ =	shalt  }
0x5f: {  	_ =	shalt  }
0x60: {  	_ =	shalt  }
0x61: {  	_ =	shalt  }
0x62: {  	_ =	shalt  }
0x63: {  	_ =	shalt  }
0x64: {  	_ =	shalt  }
0x65: {  	_ =	shalt  }
0x66: {  	_ =	shalt  }
0x67: {  	_ =	shalt  }
0x68: {  	_ =	shalt  }
0x69: {  	_ =	shalt  }
0x6a: {  	_ =	shalt  }
0x6b: {  	_ =	shalt  }
0x6c: {  	_ =	shalt  }
0x6d: {  	_ =	shalt  }
0x6e: {  	_ =	shalt  }
0x6f: {  	_ =	shalt  }
0x70: {  	_ =	shalt  }
0x71: {  	_ =	shalt  }
0x72: {  	_ =	shalt  }
0x73: {  	_ =	shalt  }
0x74: {  	_ =	shalt  }
0x75: {  	_ =	shalt  }
0x76: {  	_ =	shalt  }
0x77: {  	_ =	shalt  }
0x78: {  	_ =	shalt  }
0x79: {  	_ =	shalt  }
0x7a: {  	_ =	shalt  }
0x7b: {  	_ =	shalt  }
0x7c: {  	_ =	shalt  }
0x7d: {  	_ =	shalt  }
0x7e: {  	_ =	shalt  }
0x7f: {  	_ =	shalt  }
0x80: {  	_ =	shalt  }
0x81: {  	_ =	shalt  }
0x82: {  	_ =	shalt  }
0x83: {  	_ =	shalt  }
0x84: {  	_ =	shalt  }
0x85: {  	_ =	shalt  }
0x86: {  	_ =	shalt  }
0x87: {  	_ =	shalt  }
.Lfunc_end0:
.L_simem_size_0:
called_computation_lowered:
.L_overlay_start_0:
0x88: {  	s2 =	sld [smem:$0x3FD9]  }
0x89: {  	s3 =	sld [smem:$0x3FFE];
	_ =	sdelay $0x1  }
0x8a: {  	s1 =	srdreg.scid  }
0x8b: {  	s0 =	sand.u32 $0x1, s1  }
0x8c: {  	s14 =	sshll.u32 s0, $0xA;
	s2 =	sadd.s32 s3, s2  }
0x8d: {  	s2 =	sadd.s32 s2, s14  }
0x8e: {  	[smem:$0x3FC6] =	sst s2  }
0x8f: {  	_ = 	snop  }
0x90: {  	s2 =	sld [smem:$0x3FD0];
	_ =	sdelay $0x2  }
0x91: {  	s4 =	simm.s32 $0xA;
	s5 =	simm.s32 $0x10;
	s15 =	sld [smem:$0x3FC8]  }
0x92: {  	[smem:s5], [sflag:s4] =	dma.local [hbm:s2], $0x1  }
0x93: {  	_ =	swait.eq [sflag:s4], $0x1  }
0x94: {  	[sflag:s4] =	ssyncset.done $0x0  }
0x95: {  	[sflag:s4] =	ssyncadd.s32 $0xFFFFFFFF  }
0x96: {  	s16 =	sld [smem:$0x10];
	(tm) =	ssettm $0x1  }
0x97: {  	s17 =	sld [smem:$0x3FFB];
	_ =	sdelay $0x3  }
0x98: {  	_ =	strace s17  }
0x99: {  	s4 =	sld [smem:$0x3FFC];
	_ =	sdelay $0x3  }
0x9a: {  	_ =	strace s4  }
0x9b: {  	s4 =	sld [smem:$0x3FFD];
	_ =	sdelay $0x3  }
0x9c: {  	_ =	strace s4  }
0x9d: {  	_ =	strace $0x8FFFFFFF  }
0x9e: {  	s18 =	sld [smem:$0x3FDB];
	_ =	sdelay $0x1  }
0x9f: {  	s19 =	simm.s32 $_scs_section_size  }
0xa0: {  	s6 =	simm.s32 $_size__tile_overlayer_lowered;
	s7 =	simm.s32 $_tile_overlayer_lowered  }
0xa1: {  	s22 =	simm.s32 $0x1BFF;
	s21 =	sshll.u32 s7, $0x1;
	s4 =	sadd.s32 s19, s18  }
0xa2: {  	s8 =	simm.s32 $0x0;
	s20 =	sshll.u32 s6, $0x1;
	s6 =	sadd.s32 s21, s4  }
0xa3: {  	[timem:s8], [sflag:s22] =	dma.local [hbm:s6], s20  }
0xa4: {  	_ =	swait.ge [sflag:s22], s20  }
0xa5: {  	s5 =	ssub.s32 $0x0, s20;
	[sflag:s22] =	ssyncset.done $0x0  }
0xa6: {  	[sflag:s22] =	ssyncadd.s32 s5;
	_ =	sdelay $0x1  }
0xa7: {  	s23 =	simm.s32 $0x1B8B  }
0xa8: {  	_ =	swait.ge [sflag:s23], $0x1  }
0xa9: {  	[sflag:s23] =	ssyncset.done $0x0  }
0xaa: {  	s25 =	simm.s32 $0x1B8E;
	s24 =	sld [smem:$0x3FFE];
	[sflag:s23] =	ssyncadd.s32 $0xFFFFFFFF  }
0xab: {  	s26 =	simm.s32 $execute0_lowered;
	[smem:$0x3FD2] =	sst s25  }
0xac: {  	s6 =	sshll.u32 s26, $0x1;
	_ =	strace $0x80000046;
	[dreg:$0x1] =	wrdreg $0xFFFFFFFF  }
0xad: {  	s28 =	simm.s32 $_size_execute0_lowered;
	s4 =	sadd.s32 s4, s6;
	[dreg:$0x0] =	wrdreg $0x0  }
0xae: {  	s6 =	sshll.u32 s28, $0x1;
	[dreg:$0x2] =	wrdreg s4  }
0xaf: {  	[dreg:$0x3] =	wrdreg s6  }
0xb0: {  	[dreg:$0x4] =	wrdreg $0xC0  }
0xb1: {  	_ =	task [dreg:s8], $0x5FFFF  }
0xb2: {  	[dreg:$0x1] =	wrdreg $0xFFFFFFFF  }
0xb3: {  	[dreg:$0x0] =	wrdreg $0x60  }
0xb4: {  	[dreg:$0x2] =	wrdreg s15  }
0xb5: {  	[dreg:$0x3] =	wrdreg s24  }
0xb6: {  	[dreg:$0x4] =	wrdreg s16  }
0xb7: {  	[dreg:$0x5] =	wrdreg $0x9  }
0xb8: {  	_ =	task.clear_ibuf [dreg:s8], $0x6FFFF;
	_ =	strace $0x90000046  }
0xb9: {  	s29 =	simm.s32 $0x9;
	_ =	strace $0x8000004F  }
0xba: {  	_ =	swait.ge [sflag:s29], $0x1  }
0xbb: {  	[sflag:s29] =	ssyncadd.s32 $0xFFFFFFFF  }
0xbc: {  	_ =	strace $0x9000004F  }
0xbd: {  	_ =	sfence  }
0xbe: {  	s30 =	sld [smem:$0x0];
	_ =	sdelay $0x2  }
0xbf: {  	s31 =	sshll.u32 s1, $0xD;
	s1 =	sshrl.u32 s1, $0x2  }
0xc0: {  	s3 =	sand.u32 $0x4000, s31;
	s1 =	sadd.s32 s1, s30  }
0xc1: {  	s0 =	sor.u32 s3, s0;
	s1 =	sshll.u32 s1, $0x11  }
0xc2: {  	s0 =	sor.u32 s1, s0  }
0xc3: {  	s0 =	sadd.s32 $0x8F2B, s0  }
0xc4: {  	[sflag:s0] =	ssyncadd.remote.s32 $0x1  }
0xc5: {  	_ =	sfence.sel $0xFFFF  }
0xc6: {  	[dreg:$0x0] =	wrdreg $0xFFFFFFFF;
	(pc) =	sbr.abs _section_cstart, $3  }
0xc7: {  	[dreg:$0x1] =	wrdreg $0xFFFFFFFF  }
0xc8: {  	_ =	task.clear_ibuf [dreg:s8], $0x2FFFF;
	_ =	strace $0x9FFFFFFF  }
0xc9: {  	(tm) =	ssettm $0x7FFFFFFF  }
tec
execute0_lowered:
.L_overlay_start_1:
0x0: {  	(tag) =	ssettag $0x1  }
0x1: {  	s1 =	srdreg.scid  }
0x2: {  	s1 =	sand.u32 $0x1, s1  }
0x3: {  	p0 =	seq.s32 s1, $0x1  }
.Ltmp0:
0x4: {  	s3 =	rddreg [dreg:$0x0];
	(pc) =	sbr.rel @p0 .LBB2_2-.Ltmp0, $4  }
0x5: {  	s5 =	rddreg [dreg:$0x1]  }
0x6: {  	s2 =	rddreg [dreg:$0x2];
	s4 =	simm.s32 $0x0  }
0x7: {  	[smem:$0x7FF] =	sst s4  }
0x8: {  	s0 =	rddreg [dreg:$0x3];
	_ =	strace $0x80000047;
	s1 =	stileid.u32  }
0x9: {  	s6 =	sshll.u32 s1, $0x4  }
0xa: {  	_ =	strace $0x80000048;
	s5 =	sadd.s32 s5, s6  }
0xb: {  	[tilespmem:s4], [sflag:$0x1] =	stream.linear.gather [hbm4b:s5+s4], $0x80, $0x200038;
	[tilespmem:$0x10100] =	vst v63  }
0xc: {  	_ =	strace $0x90000048  }
0xd: {  	s7 =	simm.s32 $0x1;
	_ =	strace $0x8000004A  }
0xe: {  	_ =	swait.ge [sflag:s7], $0x80  }
0xf: {  	[sflag:s7] =	ssyncset.done $0x0  }
0x10: {  	[sflag:s7] =	ssyncadd.s32 $0xFFFFFF80  }
0x11: {  	_ =	strace $0x9000004A  }
0x12: {  	_ =	strace $0x8000004B  }
0x13: {  	v0 =	vld [tilespmem:$0x0];
	_ =	sdelay $0x4  }
0x14: {  	v1 =	vshll.u32 v0, $0x1  }
0x15: {  	v2 =	vlaneseq.u32;
	v0 =	vand.u32 $0x7, v0;
	v1 =	vand.u32 $0xFFFFFFF0, v1  }
0x16: {  	v56 =	vand.u32 $0x7, v2;
	v3 =	vshrl.u32 v2, $0x3;
	v0 =	vor.u32 v0, v1  }
0x17: {  	v3 =	vmul.u32 $0x8, v3;
	v4 =	vperm.xlane v0, v56  }
0x18: {  	v2 =	vor.u32 $0x8, v2  }
0x19: {  	v0 =	vperm.xlane v0, v2;
	v4 =	vadd.s32 v3, v4;
	_ =	sdelay $0x1  }
0x1a: {  	v0 =	vadd.s32 v3, v0;
	_ =	sdelay $0x1  }
0x1b: {  	vm0 =	vmmov $0xffff;
	s8 =	simm.s32 $0x100  }
0x1c: {  	[tilespmem:s8], [sflag:$0x5] =	stream.indirect_vreg.gather [hbm4b:s3+s4], $0x80, v4, vm0, $0x2000b8;
	[tilespmem:$0x10100] =	vst v63  }
0x1d: {  	s9 =	simm.s32 $0x900  }
0x1e: {  	[tilespmem:s9], [sflag:$0x5] =	stream.indirect_vreg.gather [hbm4b:s3+s4], $0x80, v0, vm0, $0x2000b8;
	[tilespmem:$0x10100] =	vst v63  }
0x1f: {  	v0 =	vld [tilespmem:$0x10];
	_ =	sdelay $0x4  }
0x20: {  	v57 =	vshll.u32 v0, $0x1  }
0x21: {  	v0 =	vand.u32 $0x7, v0;
	v4 =	vand.u32 $0xFFFFFFF0, v57  }
0x22: {  	v0 =	vor.u32 v0, v4  }
0x23: {  	v4 =	vperm.xlane v0, v56;
	_ =	sdelay $0x1  }
0x24: {  	v0 =	vperm.xlane v0, v2;
	v4 =	vadd.s32 v3, v4;
	_ =	sdelay $0x1  }
0x25: {  	v0 =	vadd.s32 v3, v0;
	_ =	sdelay $0x1  }
0x26: {  	s10 =	simm.s32 $0x1100  }
0x27: {  	[tilespmem:s10], [sflag:$0x5] =	stream.indirect_vreg.gather [hbm4b:s3+s4], $0x80, v4, vm0, $0x2000b8;
	[tilespmem:$0x10100] =	vst v63  }
0x28: {  	s11 =	simm.s32 $0x1900  }
0x29: {  	[tilespmem:s11], [sflag:$0x5] =	stream.indirect_vreg.gather [hbm4b:s3+s4], $0x80, v0, vm0, $0x2000b8;
	[tilespmem:$0x10100] =	vst v63  }
0x2a: {  	v0 =	vld [tilespmem:$0x20];
	_ =	sdelay $0x4  }
0x2b: {  	v58 =	vshll.u32 v0, $0x1  }
0x2c: {  	v0 =	vand.u32 $0x7, v0;
	v4 =	vand.u32 $0xFFFFFFF0, v58  }
0x2d: {  	v0 =	vor.u32 v0, v4  }
0x2e: {  	v4 =	vperm.xlane v0, v56;
	_ =	sdelay $0x1  }
0x2f: {  	v0 =	vperm.xlane v0, v2;
	v4 =	vadd.s32 v3, v4;
	_ =	sdelay $0x1  }
0x30: {  	v0 =	vadd.s32 v3, v0;
	_ =	sdelay $0x1  }
0x31: {  	s12 =	simm.s32 $0x2100  }
0x32: {  	[tilespmem:s12], [sflag:$0x5] =	stream.indirect_vreg.gather [hbm4b:s3+s4], $0x80, v4, vm0, $0x2000b8;
	[tilespmem:$0x10100] =	vst v63  }
0x33: {  	s13 =	simm.s32 $0x2900  }
0x34: {  	[tilespmem:s13], [sflag:$0x5] =	stream.indirect_vreg.gather [hbm4b:s3+s4], $0x80, v0, vm0, $0x2000b8;
	[tilespmem:$0x10100] =	vst v63  }
0x35: {  	v0 =	vld [tilespmem:$0x30];
	_ =	sdelay $0x4  }
0x36: {  	v59 =	vshll.u32 v0, $0x1  }
0x37: {  	v0 =	vand.u32 $0x7, v0;
	v4 =	vand.u32 $0xFFFFFFF0, v59  }
0x38: {  	v0 =	vor.u32 v0, v4  }
0x39: {  	v4 =	vperm.xlane v0, v56;
	_ =	sdelay $0x1  }
0x3a: {  	v0 =	vperm.xlane v0, v2;
	v4 =	vadd.s32 v3, v4;
	_ =	sdelay $0x1  }
0x3b: {  	v0 =	vadd.s32 v3, v0;
	_ =	sdelay $0x1  }
0x3c: {  	s14 =	simm.s32 $0x3100  }
0x3d: {  	[tilespmem:s14], [sflag:$0x5] =	stream.indirect_vreg.gather [hbm4b:s3+s4], $0x80, v4, vm0, $0x2000b8;
	[tilespmem:$0x10100] =	vst v63  }
0x3e: {  	s15 =	simm.s32 $0x3900  }
0x3f: {  	[tilespmem:s15], [sflag:$0x5] =	stream.indirect_vreg.gather [hbm4b:s3+s4], $0x80, v0, vm0, $0x2000b8;
	[tilespmem:$0x10100] =	vst v63  }
0x40: {  	v0 =	vld [tilespmem:$0x40];
	_ =	sdelay $0x4  }
0x41: {  	v60 =	vshll.u32 v0, $0x1  }
0x42: {  	v0 =	vand.u32 $0x7, v0;
	v4 =	vand.u32 $0xFFFFFFF0, v60  }
0x43: {  	v0 =	vor.u32 v0, v4  }
0x44: {  	v4 =	vperm.xlane v0, v56;
	_ =	sdelay $0x1  }
0x45: {  	v0 =	vperm.xlane v0, v2;
	v4 =	vadd.s32 v3, v4;
	_ =	sdelay $0x1  }
0x46: {  	v0 =	vadd.s32 v3, v0;
	_ =	sdelay $0x1  }
0x47: {  	s16 =	simm.s32 $0x4100  }
0x48: {  	[tilespmem:s16], [sflag:$0x5] =	stream.indirect_vreg.gather [hbm4b:s3+s4], $0x80, v4, vm0, $0x2000b8;
	[tilespmem:$0x10100] =	vst v63  }
0x49: {  	s17 =	simm.s32 $0x4900  }
0x4a: {  	[tilespmem:s17], [sflag:$0x5] =	stream.indirect_vreg.gather [hbm4b:s3+s4], $0x80, v0, vm0, $0x2000b8;
	[tilespmem:$0x10100] =	vst v63  }
0x4b: {  	v0 =	vld [tilespmem:$0x50];
	_ =	sdelay $0x4  }
0x4c: {  	v61 =	vshll.u32 v0, $0x1  }
0x4d: {  	v0 =	vand.u32 $0x7, v0;
	v4 =	vand.u32 $0xFFFFFFF0, v61  }
0x4e: {  	v0 =	vor.u32 v0, v4  }
0x4f: {  	v4 =	vperm.xlane v0, v56;
	_ =	sdelay $0x1  }
0x50: {  	v0 =	vperm.xlane v0, v2;
	v4 =	vadd.s32 v3, v4;
	_ =	sdelay $0x1  }
0x51: {  	v0 =	vadd.s32 v3, v0;
	_ =	sdelay $0x1  }
0x52: {  	s18 =	simm.s32 $0x5100  }
0x53: {  	[tilespmem:s18], [sflag:$0x5] =	stream.indirect_vreg.gather [hbm4b:s3+s4], $0x80, v4, vm0, $0x2000b8;
	[tilespmem:$0x10100] =	vst v63  }
0x54: {  	s19 =	simm.s32 $0x5900  }
0x55: {  	[tilespmem:s19], [sflag:$0x5] =	stream.indirect_vreg.gather [hbm4b:s3+s4], $0x80, v0, vm0, $0x2000b8;
	[tilespmem:$0x10100] =	vst v63  }
0x56: {  	v0 =	vld [tilespmem:$0x60];
	_ =	sdelay $0x4  }
0x57: {  	v62 =	vshll.u32 v0, $0x1  }
0x58: {  	v0 =	vand.u32 $0x7, v0;
	v4 =	vand.u32 $0xFFFFFFF0, v62  }
0x59: {  	v0 =	vor.u32 v0, v4  }
0x5a: {  	v4 =	vperm.xlane v0, v56;
	_ =	sdelay $0x1  }
0x5b: {  	v0 =	vperm.xlane v0, v2;
	v4 =	vadd.s32 v3, v4;
	_ =	sdelay $0x1  }
0x5c: {  	v0 =	vadd.s32 v3, v0;
	_ =	sdelay $0x1  }
0x5d: {  	s20 =	simm.s32 $0x6100  }
0x5e: {  	[tilespmem:s20], [sflag:$0x5] =	stream.indirect_vreg.gather [hbm4b:s3+s4], $0x80, v4, vm0, $0x2000b8;
	[tilespmem:$0x10100] =	vst v63  }
0x5f: {  	s21 =	simm.s32 $0x6900  }
0x60: {  	[tilespmem:s21], [sflag:$0x5] =	stream.indirect_vreg.gather [hbm4b:s3+s4], $0x80, v0, vm0, $0x2000b8;
	[tilespmem:$0x10100] =	vst v63  }
0x61: {  	v0 =	vld [tilespmem:$0x70];
	_ =	sdelay $0x4  }
0x62: {  	v63 =	vshll.u32 v0, $0x1  }
0x63: {  	v0 =	vand.u32 $0x7, v0;
	v4 =	vand.u32 $0xFFFFFFF0, v63  }
0x64: {  	v0 =	vor.u32 v0, v4  }
0x65: {  	v1 =	vperm.xlane v0, v56;
	_ =	sdelay $0x1  }
0x66: {  	v0 =	vperm.xlane v0, v2;
	v1 =	vadd.s32 v3, v1;
	_ =	sdelay $0x1  }
0x67: {  	v0 =	vadd.s32 v3, v0;
	_ =	sdelay $0x1  }
0x68: {  	s22 =	simm.s32 $0x7100  }
0x69: {  	[tilespmem:s22], [sflag:$0x5] =	stream.indirect_vreg.gather [hbm4b:s3+s4], $0x80, v1, vm0, $0x2000b8;
	[tilespmem:$0x10100] =	vst v63  }
0x6a: {  	s23 =	simm.s32 $0x7900;
	s24 =	simm.s32 $0x5  }
0x6b: {  	[tilespmem:s23], [sflag:$0x5] =	stream.indirect_vreg.gather [hbm4b:s3+s4], $0x80, v0, vm0, $0x2000b8;
	[tilespmem:$0x10100] =	vst v63  }
0x6c: {  	_ =	swait.ge [sflag:s24], $0x8000  }
0x6d: {  	s25 =	sshll.u32 s1, $0x7;
	s26 =	sshll.u32 s1, $0xF;
	[sflag:s24] =	ssyncset.done $0x0  }
0x6e: {  	s29 =	simm.s32 $0x800;
	s4 =	sand.u32 $0x700, s25;
	[sflag:s24] =	ssyncadd.s32 $0xFFFF8000  }
0x6f: {  	s28 =	sand.u32 $0x8000, s26;
	s2 =	sadd.s32 s2, s4;
	_ =	strace $0x9000004B  }
0x70: {  	s30 =	simm.s32 $0x4000;
	s2 =	sadd.s32 s28, s2;
	_ =	strace $0x8000004C  }
0x71: {  	[hbm4b:s2+s29] =	stream.strided.scatter [tilespmem:s8], [sflag:$0x3], $0x8000, s30, s29, $0x200038;
	[tilespmem:$0x10100] =	vst v63  }
0x72: {  	_ =	strace $0x9000004C  }
0x73: {  	s31 =	simm.s32 $0x3;
	_ =	strace $0x8000004E  }
0x74: {  	_ =	swait.ge [sflag:s31], $0x8000  }
0x75: {  	[sflag:s31] =	ssyncset.done $0x0  }
0x76: {  	[sflag:s31] =	ssyncadd.s32 $0xFFFF8000  }
0x77: {  	_ =	strace $0x9000004E  }
.LBB2_2:
0x78: {  	_ =	sfence.sel $0x180000  }
0x79: {  	[bflag:$0x0] =	sbarrier.arrive $0xFFFF  }
0x7a: {  	p0 =	sne.s32 s1, $0x0;
	_ =	strace $0x90000047  }
0x7b: {  	s0 =	sadd.s32 @!p0 $0x100000, s0;
	[bflag:$0x2] =	sbarrier.arrive $0xFFFF  }
0x7c: {  	[sflag:s0] =	ssyncadd.tile.s32 @!p0 $0x1;
	_ =	shalt  }
.Lfunc_end2:
_tile_overlayer_lowered:
.L_overlay_start_2:
0x7d: {  	(tag) =	ssettag $0x2  }
0x7e: {  	s0 =	rddreg [dreg:$0x0];
	s2 =	stileid.u32  }
0x7f: {  	s1 =	rddreg [dreg:$0x1];
	p0 =	sne.s32 s2, $0x0  }
0x80: {  	s3 =	rddreg [dreg:$0x2];
	[bflag:$0x3] =	sbarrier.arrive $0xFFFF;
	s2 =	simm.s32 @!p0 $0x1C01  }
0x81: {  	[timem:s3], [sflag:s2] =	dma.local @!p0 [hbm:s0], s1  }
0x82: {  	s0 =	simm.s32 @!p0 $0x1  }
0x83: {  	_ =	swait.ge @!p0 [sflag:s0], s1  }
0x84: {  	s1 =	ssub.s32 @!p0 $0x0, s1;
	[sflag:s0] =	ssyncset.done @!p0 $0x0  }
0x85: {  	[sflag:s0] =	ssyncadd.s32 @!p0 s1  }
0x86: {  	[bflag:$0x3] =	sbarrier.arrive $0xFFFF  }
0x87: {  	_ =	shalt  }

</sc_bundles>
